<compile_context>
chip_gen: v7x
topology: tpu7x:2x2x1
jax: 0.10.2.dev20260603
libtpu: 0.0.44.dev20260713+nightly
codegen_flags: <defaults>
</compile_context>

<pallas_src>
import jax
import jax.numpy as jnp
from jax import lax
from jax.experimental import pallas as pl
from jax.experimental.pallas import tpu as pltpu
from jax.experimental.pallas import tpu_sc as plsc

_D = 32
_NC = 2
_NS = 16
_NW = _NC * _NS
_IB = 128
_CHUNK = 512
_J = _CHUNK // _IB


def _make_body(steps):
    nblk = steps * _J

    def body(idx_hbm, table_hbm, out_hbm,
             idx_v, rows0, rows1, out0, out1, gsem0, gsem1, osem0, osem1):
        wid = lax.axis_index("s") * _NC + lax.axis_index("c")
        blk0 = wid * nblk
        pltpu.sync_copy(idx_hbm.at[pl.ds(blk0, nblk)], idx_v)

        evens = 2 * lax.iota(jnp.int32, 16)
        odds = evens + 1

        def fire_gather(g, rows, gsem):
            for j in range(_J):
                pltpu.async_copy(
                    table_hbm.at[idx_v.at[g * _J + j]],
                    rows.at[pl.ds(j * _IB, _IB)],
                    gsem,
                )

        def drain_gather(rows, gsem):
            pltpu.make_async_copy(
                table_hbm.at[pl.ds(0, _CHUNK)], rows, gsem
            ).wait()

        def drain_out(outb, osem):
            pltpu.make_async_copy(
                outb, out_hbm.at[pl.ds(0, _CHUNK)], osem
            ).wait()

        def compute(rows, outb):
            @plsc.parallel_loop(0, _CHUNK, unroll=8)
            def _(r):
                rvec = jnp.full((16,), r, jnp.int32)
                a = plsc.load_gather(rows, [rvec, evens])
                b = plsc.load_gather(rows, [rvec, odds])
                outb[r] = plsc.pack(a, b, format=plsc.PackFormat.INTERLEAVED)

        def make_branch(rows, outb, gsem, osem, nrows, ngsem):
            def branch(g):
                @pl.when(g + 1 < steps)
                def _():
                    fire_gather(g + 1, nrows, ngsem)

                drain_gather(rows, gsem)

                @pl.when(g >= 2)
                def _():
                    drain_out(outb, osem)

                compute(rows, outb)
                pltpu.async_copy(
                    outb,
                    out_hbm.at[pl.ds((blk0 + g * _J) * _IB, _CHUNK)],
                    osem,
                )
            return branch

        branch0 = make_branch(rows0, out0, gsem0, osem0, rows1, gsem1)
        branch1 = make_branch(rows1, out1, gsem1, osem1, rows0, gsem0)

        fire_gather(0, rows0, gsem0)

        def step(g, carry):
            pl.when(g % 2 == 0)(lambda: branch0(g))
            pl.when(g % 2 == 1)(lambda: branch1(g))
            return carry

        lax.fori_loop(0, steps, step, 0)
        drain_out(out0, osem0)
        drain_out(out1, osem1)

    return body


def kernel(inputs, embedding):
    b, s = inputs.shape
    n = b * s
    assert n % (_NW * _CHUNK) == 0
    steps = n // (_NW * _CHUNK)
    idx = inputs.reshape(-1).astype(jnp.int32).reshape(n // _IB, _IB)

    out = pl.kernel(
        _make_body(steps),
        out_type=jax.ShapeDtypeStruct((n, _D), jnp.bfloat16),
        mesh=plsc.VectorSubcoreMesh(core_axis_name="c", subcore_axis_name="s"),
        compiler_params=pltpu.CompilerParams(
            needs_layout_passes=False, use_tc_tiling_on_sc=False
        ),
        scratch_types=[
            pltpu.VMEM((steps * _J, _IB), jnp.int32),
            pltpu.VMEM((_CHUNK, _D), jnp.float32),
            pltpu.VMEM((_CHUNK, _D), jnp.float32),
            pltpu.VMEM((_CHUNK, _D), jnp.bfloat16),
            pltpu.VMEM((_CHUNK, _D), jnp.bfloat16),
            pltpu.SemaphoreType.DMA,
            pltpu.SemaphoreType.DMA,
            pltpu.SemaphoreType.DMA,
            pltpu.SemaphoreType.DMA,
        ],
    )(idx, embedding)
    return out.reshape(b, s, _D)

# --- scband reference (transcript-rebuilt; emitter-appended) ---
"""Pipeline reference for scband-casted-embedding-82892868813206 (READ-ONLY COPY).

The authoritative reference and input builder live on the scoring server;
editing this copy changes nothing except your own understanding.
"""

import jax, jax.numpy as jnp
import numpy as np

NUM_EMBEDDINGS = 1000000
EMBEDDING_DIM = 32
INIT_STD = 0.02
CAST_DTYPE = jnp.bfloat16

def setup_inputs(seed: int = 0) -> dict:
    key = jax.random.key(seed)
    k_idx, k_emb = jax.random.split(key)
    inputs = jax.random.randint(k_idx, (16384, 50), 0, NUM_EMBEDDINGS, dtype=jnp.int64)
    # truncated-normal init with std=INIT_STD, stored in float32
    embedding = (jax.random.truncated_normal(k_emb, -2.0, 2.0, (NUM_EMBEDDINGS, EMBEDDING_DIM), dtype=jnp.float32) * INIT_STD)
    return {"inputs": inputs, "embedding": embedding}

def reference(inputs, embedding):
    # CastedEmbedding.__call__: cast fp32 table to bfloat16, then gather rows
    embedding_casted = embedding.astype(CAST_DTYPE)
    return jnp.take(embedding_casted, inputs, axis=0)

if __name__ == "__main__":
    import jax
    _d = setup_inputs()
    print(jax.jit(kernel)(*tuple(_d.values())))

</pallas_src>

<mosaic_0001>
#map = affine_map<(d0, d1) -> (0, 0)>
module attributes {stable_mosaic.version = 14 : i64} {
  func.func @body(%arg0: i32, %arg1: i32, %arg2: memref<6400x128xi32, #tpu.memory_space<hbm>>, %arg3: memref<1000000x32xf32, #tpu.memory_space<hbm>>, %arg4: memref<819200x32xbf16, #tpu.memory_space<hbm>>, %arg5: memref<200x128xi32, #tpu.memory_space<vmem>>, %arg6: memref<512x32xf32, #tpu.memory_space<vmem>>, %arg7: memref<512x32xf32, #tpu.memory_space<vmem>>, %arg8: memref<512x32xbf16, #tpu.memory_space<vmem>>, %arg9: memref<512x32xbf16, #tpu.memory_space<vmem>>, %arg10: memref<!tpu.dma_semaphore, #tpu.memory_space<semaphore_mem>>, %arg11: memref<!tpu.dma_semaphore, #tpu.memory_space<semaphore_mem>>, %arg12: memref<!tpu.dma_semaphore, #tpu.memory_space<semaphore_mem>>, %arg13: memref<!tpu.dma_semaphore, #tpu.memory_space<semaphore_mem>>) attributes {dimension_semantics = [#tpu.dimension_semantics<core_parallel>, #tpu.dimension_semantics<subcore_parallel>], iteration_bounds = array<i64: 2, 16>, scalar_prefetch = 0 : i64, scratch_operands = 9 : i64, tpu.core_type = #tpu.core_type<sc_vector_subcore>, window_params = [{transform_indices = #map}, {transform_indices = #map}, {transform_indices = #map}]} {
    %mul3A = arith.constant 2 : i32
    %mul3A_0 = arith.muli %arg1, %mul3A : i32
    %add3A = arith.addi %mul3A_0, %arg0 : i32
    %mul3A_1 = arith.constant 200 : i32
    %mul3A_2 = arith.muli %add3A, %mul3A_1 : i32
    "tpu.region"() ({
      %run_scoped3A = tpu.sem_alloc : memref<!tpu.dma_semaphore, #tpu.memory_space<semaphore_mem>>
      %dma_start3A_64 = arith.constant 0 : i32
      %dma_start3A_65 = tpu.memref_slice %arg2[%mul3A_2, %dma_start3A_64] : memref<6400x128xi32, #tpu.memory_space<hbm>> -> memref<200x128xi32, #tpu.memory_space<hbm>>
      %dma_start3A_66 = arith.constant 0 : i32
      %dma_start3A_67 = tpu.memref_slice %arg2[%mul3A_2, %dma_start3A_66] : memref<6400x128xi32, #tpu.memory_space<hbm>> -> memref<200x128xi32, #tpu.memory_space<hbm>>
      tpu.enqueue_dma source(%dma_start3A_67 : memref<200x128xi32, #tpu.memory_space<hbm>>) target(%arg5 : memref<200x128xi32, #tpu.memory_space<vmem>>) target_semaphore(%run_scoped3A : memref<!tpu.dma_semaphore, #tpu.memory_space<semaphore_mem>>)
      %dma_wait3A_68 = arith.constant 0 : i32
      %dma_wait3A_69 = tpu.memref_slice %arg2[%mul3A_2, %dma_wait3A_68] : memref<6400x128xi32, #tpu.memory_space<hbm>> -> memref<200x128xi32, #tpu.memory_space<hbm>>
      %dma_wait3A_70 = arith.constant 0 : i32
      %dma_wait3A_71 = tpu.memref_slice %arg2[%mul3A_2, %dma_wait3A_70] : memref<6400x128xi32, #tpu.memory_space<hbm>> -> memref<200x128xi32, #tpu.memory_space<hbm>>
      tpu.wait_dma2 semaphore(%run_scoped3A : memref<!tpu.dma_semaphore, #tpu.memory_space<semaphore_mem>>) src(%dma_wait3A_71 : memref<200x128xi32, #tpu.memory_space<hbm>>) dst(%arg5 : memref<200x128xi32, #tpu.memory_space<vmem>>)
      tpu.yield
    }) : () -> ()
    %iota3A = tpu.iota {dimensions = array<i32: 0>} : vector<16xi32>
    %mul3A_3 = arith.constant 2 : i32
    %mul3A_4 = vector.broadcast %mul3A_3 : i32 to vector<16xi32>
    %mul3A_5 = arith.muli %mul3A_4, %iota3A : vector<16xi32>
    %add3A_6 = arith.constant 1 : i32
    %add3A_7 = vector.broadcast %add3A_6 : i32 to vector<16xi32>
    %add3A_8 = arith.addi %mul3A_5, %add3A_7 : vector<16xi32>
    %dma_start3A = arith.constant 0 : i32
    %dma_start3A_9 = arith.constant 0 : i32
    %dma_start3A_10 = arith.constant 0 : i32
    %dma_start3A_11 = tpu.memref_slice %arg6[%dma_start3A_9, %dma_start3A_10] : memref<512x32xf32, #tpu.memory_space<vmem>> -> memref<128x32xf32, #tpu.memory_space<vmem>>
    %dma_start3A_12 = arith.constant 0 : i32
    %dma_start3A_13 = tpu.memref_slice %arg5[%dma_start3A, %dma_start3A_12] : memref<200x128xi32, #tpu.memory_space<vmem>> -> memref<1x128xi32, #tpu.memory_space<vmem>>
    %dma_start3A_14 = tpu.memref_squeeze %dma_start3A_13 : memref<1x128xi32, #tpu.memory_space<vmem>> -> memref<128xi32, #tpu.memory_space<vmem>>
    %dma_start3A_15 = arith.constant 0 : i32
    %dma_start3A_16 = arith.constant 0 : i32
    %dma_start3A_17 = tpu.memref_slice %arg3[%dma_start3A_15, %dma_start3A_16] : memref<1000000x32xf32, #tpu.memory_space<hbm>> -> memref<1000000x32xf32, #tpu.memory_space<hbm>>
    tpu.enqueue_indirect_dma source(%dma_start3A_17 : memref<1000000x32xf32, #tpu.memory_space<hbm>>) target(%dma_start3A_11 : memref<128x32xf32, #tpu.memory_space<vmem>>) offsets(%dma_start3A_14 : memref<128xi32, #tpu.memory_space<vmem>>) semaphore(%arg10 : memref<!tpu.dma_semaphore, #tpu.memory_space<semaphore_mem>>)
    %dma_start3A_18 = arith.constant 1 : i32
    %dma_start3A_19 = arith.constant 128 : i32
    %dma_start3A_20 = arith.constant 0 : i32
    %dma_start3A_21 = tpu.memref_slice %arg6[%dma_start3A_19, %dma_start3A_20] : memref<512x32xf32, #tpu.memory_space<vmem>> -> memref<128x32xf32, #tpu.memory_space<vmem>>
    %dma_start3A_22 = arith.constant 0 : i32
    %dma_start3A_23 = tpu.memref_slice %arg5[%dma_start3A_18, %dma_start3A_22] : memref<200x128xi32, #tpu.memory_space<vmem>> -> memref<1x128xi32, #tpu.memory_space<vmem>>
    %dma_start3A_24 = tpu.memref_squeeze %dma_start3A_23 : memref<1x128xi32, #tpu.memory_space<vmem>> -> memref<128xi32, #tpu.memory_space<vmem>>
    %dma_start3A_25 = arith.constant 0 : i32
    %dma_start3A_26 = arith.constant 0 : i32
    %dma_start3A_27 = tpu.memref_slice %arg3[%dma_start3A_25, %dma_start3A_26] : memref<1000000x32xf32, #tpu.memory_space<hbm>> -> memref<1000000x32xf32, #tpu.memory_space<hbm>>
    tpu.enqueue_indirect_dma source(%dma_start3A_27 : memref<1000000x32xf32, #tpu.memory_space<hbm>>) target(%dma_start3A_21 : memref<128x32xf32, #tpu.memory_space<vmem>>) offsets(%dma_start3A_24 : memref<128xi32, #tpu.memory_space<vmem>>) semaphore(%arg10 : memref<!tpu.dma_semaphore, #tpu.memory_space<semaphore_mem>>)
    %dma_start3A_28 = arith.constant 2 : i32
    %dma_start3A_29 = arith.constant 256 : i32
    %dma_start3A_30 = arith.constant 0 : i32
    %dma_start3A_31 = tpu.memref_slice %arg6[%dma_start3A_29, %dma_start3A_30] : memref<512x32xf32, #tpu.memory_space<vmem>> -> memref<128x32xf32, #tpu.memory_space<vmem>>
    %dma_start3A_32 = arith.constant 0 : i32
    %dma_start3A_33 = tpu.memref_slice %arg5[%dma_start3A_28, %dma_start3A_32] : memref<200x128xi32, #tpu.memory_space<vmem>> -> memref<1x128xi32, #tpu.memory_space<vmem>>
    %dma_start3A_34 = tpu.memref_squeeze %dma_start3A_33 : memref<1x128xi32, #tpu.memory_space<vmem>> -> memref<128xi32, #tpu.memory_space<vmem>>
    %dma_start3A_35 = arith.constant 0 : i32
    %dma_start3A_36 = arith.constant 0 : i32
    %dma_start3A_37 = tpu.memref_slice %arg3[%dma_start3A_35, %dma_start3A_36] : memref<1000000x32xf32, #tpu.memory_space<hbm>> -> memref<1000000x32xf32, #tpu.memory_space<hbm>>
    tpu.enqueue_indirect_dma source(%dma_start3A_37 : memref<1000000x32xf32, #tpu.memory_space<hbm>>) target(%dma_start3A_31 : memref<128x32xf32, #tpu.memory_space<vmem>>) offsets(%dma_start3A_34 : memref<128xi32, #tpu.memory_space<vmem>>) semaphore(%arg10 : memref<!tpu.dma_semaphore, #tpu.memory_space<semaphore_mem>>)
    %dma_start3A_38 = arith.constant 3 : i32
    %dma_start3A_39 = arith.constant 384 : i32
    %dma_start3A_40 = arith.constant 0 : i32
    %dma_start3A_41 = tpu.memref_slice %arg6[%dma_start3A_39, %dma_start3A_40] : memref<512x32xf32, #tpu.memory_space<vmem>> -> memref<128x32xf32, #tpu.memory_space<vmem>>
    %dma_start3A_42 = arith.constant 0 : i32
    %dma_start3A_43 = tpu.memref_slice %arg5[%dma_start3A_38, %dma_start3A_42] : memref<200x128xi32, #tpu.memory_space<vmem>> -> memref<1x128xi32, #tpu.memory_space<vmem>>
    %dma_start3A_44 = tpu.memref_squeeze %dma_start3A_43 : memref<1x128xi32, #tpu.memory_space<vmem>> -> memref<128xi32, #tpu.memory_space<vmem>>
    %dma_start3A_45 = arith.constant 0 : i32
    %dma_start3A_46 = arith.constant 0 : i32
    %dma_start3A_47 = tpu.memref_slice %arg3[%dma_start3A_45, %dma_start3A_46] : memref<1000000x32xf32, #tpu.memory_space<hbm>> -> memref<1000000x32xf32, #tpu.memory_space<hbm>>
    tpu.enqueue_indirect_dma source(%dma_start3A_47 : memref<1000000x32xf32, #tpu.memory_space<hbm>>) target(%dma_start3A_41 : memref<128x32xf32, #tpu.memory_space<vmem>>) offsets(%dma_start3A_44 : memref<128xi32, #tpu.memory_space<vmem>>) semaphore(%arg10 : memref<!tpu.dma_semaphore, #tpu.memory_space<semaphore_mem>>)
    %scan3A = arith.constant 0 : i32
    %scan3A_48 = arith.constant 0 : i32
    %scan3A_49 = arith.constant 50 : i32
    %scan3A_50 = arith.addi %scan3A_48, %scan3A_49 : i32
    %scan3A_51 = arith.constant 1 : i32
    scf.for %scan3A_64 = %scan3A_48 to %scan3A_50 step %scan3A_51  : i32 {
      %jit3A = arith.constant 2 : i32
      %eq3A = arith.constant 0 : i32
      %eq3A_65 = arith.cmpi eq, %jit3A, %eq3A : i32
      %jit3A_66 = arith.constant 1 : i32
      %select_n3A = arith.select %eq3A_65, %jit3A_66, %jit3A : i32
      %rem3A = arith.remsi %scan3A_64, %select_n3A : i32
      %ne3A = arith.constant 0 : i32
      %ne3A_67 = arith.cmpi ne, %rem3A, %ne3A : i32
      %lt3A = arith.constant 0 : i32
      %lt3A_68 = arith.cmpi slt, %rem3A, %lt3A : i32
      %lt3A_69 = arith.constant 0 : i32
      %lt3A_70 = arith.cmpi slt, %select_n3A, %lt3A_69 : i32
      %ne3A_71 = arith.xori %lt3A_68, %lt3A_70 : i1
      %and3A = arith.andi %ne3A_71, %ne3A_67 : i1
      %add3A_72 = arith.addi %rem3A, %select_n3A : i32
      %select_n3A_73 = arith.select %and3A, %add3A_72, %rem3A : i32
      %eq3A_74 = arith.constant 0 : i32
      %eq3A_75 = arith.cmpi eq, %select_n3A_73, %eq3A_74 : i32
      %convert_element_type3A = arith.extui %eq3A_75 : i1 to i32
      %cond3A = arith.constant 0 : i32
      %cond3A_76 = arith.cmpi ne, %convert_element_type3A, %cond3A : i32
      scf.if %cond3A_76 {
        %add3A_98 = arith.constant 1 : i32
        %add3A_99 = arith.addi %scan3A_64, %add3A_98 : i32
        %lt3A_100 = arith.constant 50 : i32
        %lt3A_101 = arith.cmpi slt, %add3A_99, %lt3A_100 : i32
        %convert_element_type3A_102 = arith.extui %lt3A_101 : i1 to i32
        %cond3A_103 = arith.constant 0 : i32
        %cond3A_104 = arith.cmpi ne, %convert_element_type3A_102, %cond3A_103 : i32
        scf.if %cond3A_104 {
          %add3A_126 = arith.constant 1 : i32
          %add3A_127 = arith.addi %scan3A_64, %add3A_126 : i32
          %mul3A_128 = arith.constant 4 : i32
          %mul3A_129 = arith.muli %add3A_127, %mul3A_128 : i32
          %add3A_130 = arith.constant 0 : i32
          %add3A_131 = arith.addi %mul3A_129, %add3A_130 : i32
          %dma_start3A_132 = arith.constant 0 : i32
          %dma_start3A_133 = arith.constant 0 : i32
          %dma_start3A_134 = tpu.memref_slice %arg7[%dma_start3A_132, %dma_start3A_133] : memref<512x32xf32, #tpu.memory_space<vmem>> -> memref<128x32xf32, #tpu.memory_space<vmem>>
          %dma_start3A_135 = arith.constant 0 : i32
          %dma_start3A_136 = tpu.memref_slice %arg5[%add3A_131, %dma_start3A_135] : memref<200x128xi32, #tpu.memory_space<vmem>> -> memref<1x128xi32, #tpu.memory_space<vmem>>
          %dma_start3A_137 = tpu.memref_squeeze %dma_start3A_136 : memref<1x128xi32, #tpu.memory_space<vmem>> -> memref<128xi32, #tpu.memory_space<vmem>>
          %dma_start3A_138 = arith.constant 0 : i32
          %dma_start3A_139 = arith.constant 0 : i32
          %dma_start3A_140 = tpu.memref_slice %arg3[%dma_start3A_138, %dma_start3A_139] : memref<1000000x32xf32, #tpu.memory_space<hbm>> -> memref<1000000x32xf32, #tpu.memory_space<hbm>>
          tpu.enqueue_indirect_dma source(%dma_start3A_140 : memref<1000000x32xf32, #tpu.memory_space<hbm>>) target(%dma_start3A_134 : memref<128x32xf32, #tpu.memory_space<vmem>>) offsets(%dma_start3A_137 : memref<128xi32, #tpu.memory_space<vmem>>) semaphore(%arg11 : memref<!tpu.dma_semaphore, #tpu.memory_space<semaphore_mem>>)
          %mul3A_141 = arith.constant 4 : i32
          %mul3A_142 = arith.muli %add3A_127, %mul3A_141 : i32
          %add3A_143 = arith.constant 1 : i32
          %add3A_144 = arith.addi %mul3A_142, %add3A_143 : i32
          %dma_start3A_145 = arith.constant 128 : i32
          %dma_start3A_146 = arith.constant 0 : i32
          %dma_start3A_147 = tpu.memref_slice %arg7[%dma_start3A_145, %dma_start3A_146] : memref<512x32xf32, #tpu.memory_space<vmem>> -> memref<128x32xf32, #tpu.memory_space<vmem>>
          %dma_start3A_148 = arith.constant 0 : i32
          %dma_start3A_149 = tpu.memref_slice %arg5[%add3A_144, %dma_start3A_148] : memref<200x128xi32, #tpu.memory_space<vmem>> -> memref<1x128xi32, #tpu.memory_space<vmem>>
          %dma_start3A_150 = tpu.memref_squeeze %dma_start3A_149 : memref<1x128xi32, #tpu.memory_space<vmem>> -> memref<128xi32, #tpu.memory_space<vmem>>
          %dma_start3A_151 = arith.constant 0 : i32
          %dma_start3A_152 = arith.constant 0 : i32
          %dma_start3A_153 = tpu.memref_slice %arg3[%dma_start3A_151, %dma_start3A_152] : memref<1000000x32xf32, #tpu.memory_space<hbm>> -> memref<1000000x32xf32, #tpu.memory_space<hbm>>
          tpu.enqueue_indirect_dma source(%dma_start3A_153 : memref<1000000x32xf32, #tpu.memory_space<hbm>>) target(%dma_start3A_147 : memref<128x32xf32, #tpu.memory_space<vmem>>) offsets(%dma_start3A_150 : memref<128xi32, #tpu.memory_space<vmem>>) semaphore(%arg11 : memref<!tpu.dma_semaphore, #tpu.memory_space<semaphore_mem>>)
          %mul3A_154 = arith.constant 4 : i32
          %mul3A_155 = arith.muli %add3A_127, %mul3A_154 : i32
          %add3A_156 = arith.constant 2 : i32
          %add3A_157 = arith.addi %mul3A_155, %add3A_156 : i32
          %dma_start3A_158 = arith.constant 256 : i32
          %dma_start3A_159 = arith.constant 0 : i32
          %dma_start3A_160 = tpu.memref_slice %arg7[%dma_start3A_158, %dma_start3A_159] : memref<512x32xf32, #tpu.memory_space<vmem>> -> memref<128x32xf32, #tpu.memory_space<vmem>>
          %dma_start3A_161 = arith.constant 0 : i32
          %dma_start3A_162 = tpu.memref_slice %arg5[%add3A_157, %dma_start3A_161] : memref<200x128xi32, #tpu.memory_space<vmem>> -> memref<1x128xi32, #tpu.memory_space<vmem>>
          %dma_start3A_163 = tpu.memref_squeeze %dma_start3A_162 : memref<1x128xi32, #tpu.memory_space<vmem>> -> memref<128xi32, #tpu.memory_space<vmem>>
          %dma_start3A_164 = arith.constant 0 : i32
          %dma_start3A_165 = arith.constant 0 : i32
          %dma_start3A_166 = tpu.memref_slice %arg3[%dma_start3A_164, %dma_start3A_165] : memref<1000000x32xf32, #tpu.memory_space<hbm>> -> memref<1000000x32xf32, #tpu.memory_space<hbm>>
          tpu.enqueue_indirect_dma source(%dma_start3A_166 : memref<1000000x32xf32, #tpu.memory_space<hbm>>) target(%dma_start3A_160 : memref<128x32xf32, #tpu.memory_space<vmem>>) offsets(%dma_start3A_163 : memref<128xi32, #tpu.memory_space<vmem>>) semaphore(%arg11 : memref<!tpu.dma_semaphore, #tpu.memory_space<semaphore_mem>>)
          %mul3A_167 = arith.constant 4 : i32
          %mul3A_168 = arith.muli %add3A_127, %mul3A_167 : i32
          %add3A_169 = arith.constant 3 : i32
          %add3A_170 = arith.addi %mul3A_168, %add3A_169 : i32
          %dma_start3A_171 = arith.constant 384 : i32
          %dma_start3A_172 = arith.constant 0 : i32
          %dma_start3A_173 = tpu.memref_slice %arg7[%dma_start3A_171, %dma_start3A_172] : memref<512x32xf32, #tpu.memory_space<vmem>> -> memref<128x32xf32, #tpu.memory_space<vmem>>
          %dma_start3A_174 = arith.constant 0 : i32
          %dma_start3A_175 = tpu.memref_slice %arg5[%add3A_170, %dma_start3A_174] : memref<200x128xi32, #tpu.memory_space<vmem>> -> memref<1x128xi32, #tpu.memory_space<vmem>>
          %dma_start3A_176 = tpu.memref_squeeze %dma_start3A_175 : memref<1x128xi32, #tpu.memory_space<vmem>> -> memref<128xi32, #tpu.memory_space<vmem>>
          %dma_start3A_177 = arith.constant 0 : i32
          %dma_start3A_178 = arith.constant 0 : i32
          %dma_start3A_179 = tpu.memref_slice %arg3[%dma_start3A_177, %dma_start3A_178] : memref<1000000x32xf32, #tpu.memory_space<hbm>> -> memref<1000000x32xf32, #tpu.memory_space<hbm>>
          tpu.enqueue_indirect_dma source(%dma_start3A_179 : memref<1000000x32xf32, #tpu.memory_space<hbm>>) target(%dma_start3A_173 : memref<128x32xf32, #tpu.memory_space<vmem>>) offsets(%dma_start3A_176 : memref<128xi32, #tpu.memory_space<vmem>>) semaphore(%arg11 : memref<!tpu.dma_semaphore, #tpu.memory_space<semaphore_mem>>)
        } else {
        }
        %dma_wait3A_105 = arith.constant 0 : i32
        %dma_wait3A_106 = arith.constant 0 : i32
        %dma_wait3A_107 = tpu.memref_slice %arg3[%dma_wait3A_105, %dma_wait3A_106] : memref<1000000x32xf32, #tpu.memory_space<hbm>> -> memref<512x32xf32, #tpu.memory_space<hbm>>
        %dma_wait3A_108 = arith.constant 0 : i32
        %dma_wait3A_109 = arith.constant 0 : i32
        %dma_wait3A_110 = tpu.memref_slice %arg3[%dma_wait3A_108, %dma_wait3A_109] : memref<1000000x32xf32, #tpu.memory_space<hbm>> -> memref<512x32xf32, #tpu.memory_space<hbm>>
        tpu.wait_dma2 semaphore(%arg10 : memref<!tpu.dma_semaphore, #tpu.memory_space<semaphore_mem>>) src(%dma_wait3A_110 : memref<512x32xf32, #tpu.memory_space<hbm>>) dst(%arg6 : memref<512x32xf32, #tpu.memory_space<vmem>>)
        %ge3A = arith.constant 2 : i32
        %ge3A_111 = arith.cmpi sge, %scan3A_64, %ge3A : i32
        %convert_element_type3A_112 = arith.extui %ge3A_111 : i1 to i32
        %cond3A_113 = arith.constant 0 : i32
        %cond3A_114 = arith.cmpi ne, %convert_element_type3A_112, %cond3A_113 : i32
        scf.if %cond3A_114 {
          %dma_wait3A_126 = arith.constant 0 : i32
          %dma_wait3A_127 = arith.constant 0 : i32
          %dma_wait3A_128 = tpu.memref_slice %arg4[%dma_wait3A_126, %dma_wait3A_127] : memref<819200x32xbf16, #tpu.memory_space<hbm>> -> memref<512x32xbf16, #tpu.memory_space<hbm>>
          %dma_wait3A_129 = arith.constant 0 : i32
          %dma_wait3A_130 = arith.constant 0 : i32
          %dma_wait3A_131 = tpu.memref_slice %arg4[%dma_wait3A_129, %dma_wait3A_130] : memref<819200x32xbf16, #tpu.memory_space<hbm>> -> memref<512x32xbf16, #tpu.memory_space<hbm>>
          tpu.wait_dma2 semaphore(%arg12 : memref<!tpu.dma_semaphore, #tpu.memory_space<semaphore_mem>>) src(%arg8 : memref<512x32xbf16, #tpu.memory_space<vmem>>) dst(%dma_wait3A_131 : memref<512x32xbf16, #tpu.memory_space<hbm>>)
        } else {
        }
        %parallel_loop3A = arith.constant 0 : i32
        %parallel_loop3A_115 = arith.constant 512 : i32
        %parallel_loop3A_116 = arith.constant 1 : i32
        scf.for %parallel_loop3A_126 = %parallel_loop3A to %parallel_loop3A_115 step %parallel_loop3A_116  : i32 {
          %parallel_loop3A_127 = vector.broadcast %parallel_loop3A_126 : i32 to vector<16xi32>
          %parallel_loop3A_128 = tpu.vector_load_idx %arg6[%parallel_loop3A_127, %mul3A_5] : memref<512x32xf32, #tpu.memory_space<vmem>>[vector<16xi32>, vector<16xi32>], vector<16xf32>,
          %parallel_loop3A_129 = tpu.vector_load_idx %arg6[%parallel_loop3A_127, %add3A_8] : memref<512x32xf32, #tpu.memory_space<vmem>>[vector<16xi32>, vector<16xi32>], vector<16xf32>,
          %parallel_loop3A_130 = tpu.pack_subelements %parallel_loop3A_128, %parallel_loop3A_129 {pack_format = #tpu.pack_format<interleaved>, positions = array<i32: 0, 1>} : vector<16xf32>, vector<16xf32> -> vector<32xbf16>
          %parallel_loop3A_131 = arith.index_cast %parallel_loop3A_126 : i32 to index
          %parallel_loop3A_132 = arith.constant 0 : index
          %parallel_loop3A_133 = tpu.vector_load %arg8[%parallel_loop3A_131, %parallel_loop3A_132] {strides = array<i32>} : memref<512x32xbf16, #tpu.memory_space<vmem>>, vector<32xbf16>,
          tpu.vector_store %arg8[%parallel_loop3A_131, %parallel_loop3A_132], %parallel_loop3A_130 {strides = array<i32>} : memref<512x32xbf16, #tpu.memory_space<vmem>>, vector<32xbf16>,
        } {sc.loop_unroll_factor = 8 : i64, sc.parallel_access}
        %mul3A_117 = arith.constant 4 : i32
        %mul3A_118 = arith.muli %scan3A_64, %mul3A_117 : i32
        %add3A_119 = arith.addi %mul3A_2, %mul3A_118 : i32
        %mul3A_120 = arith.constant 128 : i32
        %mul3A_121 = arith.muli %add3A_119, %mul3A_120 : i32
        %dma_start3A_122 = arith.constant 0 : i32
        %dma_start3A_123 = tpu.memref_slice %arg4[%mul3A_121, %dma_start3A_122] : memref<819200x32xbf16, #tpu.memory_space<hbm>> -> memref<512x32xbf16, #tpu.memory_space<hbm>>
        %dma_start3A_124 = arith.constant 0 : i32
        %dma_start3A_125 = tpu.memref_slice %arg4[%mul3A_121, %dma_start3A_124] : memref<819200x32xbf16, #tpu.memory_space<hbm>> -> memref<512x32xbf16, #tpu.memory_space<hbm>>
        tpu.enqueue_dma source(%arg8 : memref<512x32xbf16, #tpu.memory_space<vmem>>) target(%dma_start3A_125 : memref<512x32xbf16, #tpu.memory_space<hbm>>) target_semaphore(%arg12 : memref<!tpu.dma_semaphore, #tpu.memory_space<semaphore_mem>>)
      } else {
      }
      %jit3A_77 = arith.constant 2 : i32
      %eq3A_78 = arith.constant 0 : i32
      %eq3A_79 = arith.cmpi eq, %jit3A_77, %eq3A_78 : i32
      %jit3A_80 = arith.constant 1 : i32
      %select_n3A_81 = arith.select %eq3A_79, %jit3A_80, %jit3A_77 : i32
      %rem3A_82 = arith.remsi %scan3A_64, %select_n3A_81 : i32
      %ne3A_83 = arith.constant 0 : i32
      %ne3A_84 = arith.cmpi ne, %rem3A_82, %ne3A_83 : i32
      %lt3A_85 = arith.constant 0 : i32
      %lt3A_86 = arith.cmpi slt, %rem3A_82, %lt3A_85 : i32
      %lt3A_87 = arith.constant 0 : i32
      %lt3A_88 = arith.cmpi slt, %select_n3A_81, %lt3A_87 : i32
      %ne3A_89 = arith.xori %lt3A_86, %lt3A_88 : i1
      %and3A_90 = arith.andi %ne3A_89, %ne3A_84 : i1
      %add3A_91 = arith.addi %rem3A_82, %select_n3A_81 : i32
      %select_n3A_92 = arith.select %and3A_90, %add3A_91, %rem3A_82 : i32
      %eq3A_93 = arith.constant 1 : i32
      %eq3A_94 = arith.cmpi eq, %select_n3A_92, %eq3A_93 : i32
      %convert_element_type3A_95 = arith.extui %eq3A_94 : i1 to i32
      %cond3A_96 = arith.constant 0 : i32
      %cond3A_97 = arith.cmpi ne, %convert_element_type3A_95, %cond3A_96 : i32
      scf.if %cond3A_97 {
        %add3A_98 = arith.constant 1 : i32
        %add3A_99 = arith.addi %scan3A_64, %add3A_98 : i32
        %lt3A_100 = arith.constant 50 : i32
        %lt3A_101 = arith.cmpi slt, %add3A_99, %lt3A_100 : i32
        %convert_element_type3A_102 = arith.extui %lt3A_101 : i1 to i32
        %cond3A_103 = arith.constant 0 : i32
        %cond3A_104 = arith.cmpi ne, %convert_element_type3A_102, %cond3A_103 : i32
        scf.if %cond3A_104 {
          %add3A_126 = arith.constant 1 : i32
          %add3A_127 = arith.addi %scan3A_64, %add3A_126 : i32
          %mul3A_128 = arith.constant 4 : i32
          %mul3A_129 = arith.muli %add3A_127, %mul3A_128 : i32
          %add3A_130 = arith.constant 0 : i32
          %add3A_131 = arith.addi %mul3A_129, %add3A_130 : i32
          %dma_start3A_132 = arith.constant 0 : i32
          %dma_start3A_133 = arith.constant 0 : i32
          %dma_start3A_134 = tpu.memref_slice %arg6[%dma_start3A_132, %dma_start3A_133] : memref<512x32xf32, #tpu.memory_space<vmem>> -> memref<128x32xf32, #tpu.memory_space<vmem>>
          %dma_start3A_135 = arith.constant 0 : i32
          %dma_start3A_136 = tpu.memref_slice %arg5[%add3A_131, %dma_start3A_135] : memref<200x128xi32, #tpu.memory_space<vmem>> -> memref<1x128xi32, #tpu.memory_space<vmem>>
          %dma_start3A_137 = tpu.memref_squeeze %dma_start3A_136 : memref<1x128xi32, #tpu.memory_space<vmem>> -> memref<128xi32, #tpu.memory_space<vmem>>
          %dma_start3A_138 = arith.constant 0 : i32
          %dma_start3A_139 = arith.constant 0 : i32
          %dma_start3A_140 = tpu.memref_slice %arg3[%dma_start3A_138, %dma_start3A_139] : memref<1000000x32xf32, #tpu.memory_space<hbm>> -> memref<1000000x32xf32, #tpu.memory_space<hbm>>
          tpu.enqueue_indirect_dma source(%dma_start3A_140 : memref<1000000x32xf32, #tpu.memory_space<hbm>>) target(%dma_start3A_134 : memref<128x32xf32, #tpu.memory_space<vmem>>) offsets(%dma_start3A_137 : memref<128xi32, #tpu.memory_space<vmem>>) semaphore(%arg10 : memref<!tpu.dma_semaphore, #tpu.memory_space<semaphore_mem>>)
          %mul3A_141 = arith.constant 4 : i32
          %mul3A_142 = arith.muli %add3A_127, %mul3A_141 : i32
          %add3A_143 = arith.constant 1 : i32
          %add3A_144 = arith.addi %mul3A_142, %add3A_143 : i32
          %dma_start3A_145 = arith.constant 128 : i32
          %dma_start3A_146 = arith.constant 0 : i32
          %dma_start3A_147 = tpu.memref_slice %arg6[%dma_start3A_145, %dma_start3A_146] : memref<512x32xf32, #tpu.memory_space<vmem>> -> memref<128x32xf32, #tpu.memory_space<vmem>>
          %dma_start3A_148 = arith.constant 0 : i32
          %dma_start3A_149 = tpu.memref_slice %arg5[%add3A_144, %dma_start3A_148] : memref<200x128xi32, #tpu.memory_space<vmem>> -> memref<1x128xi32, #tpu.memory_space<vmem>>
          %dma_start3A_150 = tpu.memref_squeeze %dma_start3A_149 : memref<1x128xi32, #tpu.memory_space<vmem>> -> memref<128xi32, #tpu.memory_space<vmem>>
          %dma_start3A_151 = arith.constant 0 : i32
          %dma_start3A_152 = arith.constant 0 : i32
          %dma_start3A_153 = tpu.memref_slice %arg3[%dma_start3A_151, %dma_start3A_152] : memref<1000000x32xf32, #tpu.memory_space<hbm>> -> memref<1000000x32xf32, #tpu.memory_space<hbm>>
          tpu.enqueue_indirect_dma source(%dma_start3A_153 : memref<1000000x32xf32, #tpu.memory_space<hbm>>) target(%dma_start3A_147 : memref<128x32xf32, #tpu.memory_space<vmem>>) offsets(%dma_start3A_150 : memref<128xi32, #tpu.memory_space<vmem>>) semaphore(%arg10 : memref<!tpu.dma_semaphore, #tpu.memory_space<semaphore_mem>>)
          %mul3A_154 = arith.constant 4 : i32
          %mul3A_155 = arith.muli %add3A_127, %mul3A_154 : i32
          %add3A_156 = arith.constant 2 : i32
          %add3A_157 = arith.addi %mul3A_155, %add3A_156 : i32
          %dma_start3A_158 = arith.constant 256 : i32
          %dma_start3A_159 = arith.constant 0 : i32
          %dma_start3A_160 = tpu.memref_slice %arg6[%dma_start3A_158, %dma_start3A_159] : memref<512x32xf32, #tpu.memory_space<vmem>> -> memref<128x32xf32, #tpu.memory_space<vmem>>
          %dma_start3A_161 = arith.constant 0 : i32
          %dma_start3A_162 = tpu.memref_slice %arg5[%add3A_157, %dma_start3A_161] : memref<200x128xi32, #tpu.memory_space<vmem>> -> memref<1x128xi32, #tpu.memory_space<vmem>>
          %dma_start3A_163 = tpu.memref_squeeze %dma_start3A_162 : memref<1x128xi32, #tpu.memory_space<vmem>> -> memref<128xi32, #tpu.memory_space<vmem>>
          %dma_start3A_164 = arith.constant 0 : i32
          %dma_start3A_165 = arith.constant 0 : i32
          %dma_start3A_166 = tpu.memref_slice %arg3[%dma_start3A_164, %dma_start3A_165] : memref<1000000x32xf32, #tpu.memory_space<hbm>> -> memref<1000000x32xf32, #tpu.memory_space<hbm>>
          tpu.enqueue_indirect_dma source(%dma_start3A_166 : memref<1000000x32xf32, #tpu.memory_space<hbm>>) target(%dma_start3A_160 : memref<128x32xf32, #tpu.memory_space<vmem>>) offsets(%dma_start3A_163 : memref<128xi32, #tpu.memory_space<vmem>>) semaphore(%arg10 : memref<!tpu.dma_semaphore, #tpu.memory_space<semaphore_mem>>)
          %mul3A_167 = arith.constant 4 : i32
          %mul3A_168 = arith.muli %add3A_127, %mul3A_167 : i32
          %add3A_169 = arith.constant 3 : i32
          %add3A_170 = arith.addi %mul3A_168, %add3A_169 : i32
          %dma_start3A_171 = arith.constant 384 : i32
          %dma_start3A_172 = arith.constant 0 : i32
          %dma_start3A_173 = tpu.memref_slice %arg6[%dma_start3A_171, %dma_start3A_172] : memref<512x32xf32, #tpu.memory_space<vmem>> -> memref<128x32xf32, #tpu.memory_space<vmem>>
          %dma_start3A_174 = arith.constant 0 : i32
          %dma_start3A_175 = tpu.memref_slice %arg5[%add3A_170, %dma_start3A_174] : memref<200x128xi32, #tpu.memory_space<vmem>> -> memref<1x128xi32, #tpu.memory_space<vmem>>
          %dma_start3A_176 = tpu.memref_squeeze %dma_start3A_175 : memref<1x128xi32, #tpu.memory_space<vmem>> -> memref<128xi32, #tpu.memory_space<vmem>>
          %dma_start3A_177 = arith.constant 0 : i32
          %dma_start3A_178 = arith.constant 0 : i32
          %dma_start3A_179 = tpu.memref_slice %arg3[%dma_start3A_177, %dma_start3A_178] : memref<1000000x32xf32, #tpu.memory_space<hbm>> -> memref<1000000x32xf32, #tpu.memory_space<hbm>>
          tpu.enqueue_indirect_dma source(%dma_start3A_179 : memref<1000000x32xf32, #tpu.memory_space<hbm>>) target(%dma_start3A_173 : memref<128x32xf32, #tpu.memory_space<vmem>>) offsets(%dma_start3A_176 : memref<128xi32, #tpu.memory_space<vmem>>) semaphore(%arg10 : memref<!tpu.dma_semaphore, #tpu.memory_space<semaphore_mem>>)
        } else {
        }
        %dma_wait3A_105 = arith.constant 0 : i32
        %dma_wait3A_106 = arith.constant 0 : i32
        %dma_wait3A_107 = tpu.memref_slice %arg3[%dma_wait3A_105, %dma_wait3A_106] : memref<1000000x32xf32, #tpu.memory_space<hbm>> -> memref<512x32xf32, #tpu.memory_space<hbm>>
        %dma_wait3A_108 = arith.constant 0 : i32
        %dma_wait3A_109 = arith.constant 0 : i32
        %dma_wait3A_110 = tpu.memref_slice %arg3[%dma_wait3A_108, %dma_wait3A_109] : memref<1000000x32xf32, #tpu.memory_space<hbm>> -> memref<512x32xf32, #tpu.memory_space<hbm>>
        tpu.wait_dma2 semaphore(%arg11 : memref<!tpu.dma_semaphore, #tpu.memory_space<semaphore_mem>>) src(%dma_wait3A_110 : memref<512x32xf32, #tpu.memory_space<hbm>>) dst(%arg7 : memref<512x32xf32, #tpu.memory_space<vmem>>)
        %ge3A = arith.constant 2 : i32
        %ge3A_111 = arith.cmpi sge, %scan3A_64, %ge3A : i32
        %convert_element_type3A_112 = arith.extui %ge3A_111 : i1 to i32
        %cond3A_113 = arith.constant 0 : i32
        %cond3A_114 = arith.cmpi ne, %convert_element_type3A_112, %cond3A_113 : i32
        scf.if %cond3A_114 {
          %dma_wait3A_126 = arith.constant 0 : i32
          %dma_wait3A_127 = arith.constant 0 : i32
          %dma_wait3A_128 = tpu.memref_slice %arg4[%dma_wait3A_126, %dma_wait3A_127] : memref<819200x32xbf16, #tpu.memory_space<hbm>> -> memref<512x32xbf16, #tpu.memory_space<hbm>>
          %dma_wait3A_129 = arith.constant 0 : i32
          %dma_wait3A_130 = arith.constant 0 : i32
          %dma_wait3A_131 = tpu.memref_slice %arg4[%dma_wait3A_129, %dma_wait3A_130] : memref<819200x32xbf16, #tpu.memory_space<hbm>> -> memref<512x32xbf16, #tpu.memory_space<hbm>>
          tpu.wait_dma2 semaphore(%arg13 : memref<!tpu.dma_semaphore, #tpu.memory_space<semaphore_mem>>) src(%arg9 : memref<512x32xbf16, #tpu.memory_space<vmem>>) dst(%dma_wait3A_131 : memref<512x32xbf16, #tpu.memory_space<hbm>>)
        } else {
        }
        %parallel_loop3A = arith.constant 0 : i32
        %parallel_loop3A_115 = arith.constant 512 : i32
        %parallel_loop3A_116 = arith.constant 1 : i32
        scf.for %parallel_loop3A_126 = %parallel_loop3A to %parallel_loop3A_115 step %parallel_loop3A_116  : i32 {
          %parallel_loop3A_127 = vector.broadcast %parallel_loop3A_126 : i32 to vector<16xi32>
          %parallel_loop3A_128 = tpu.vector_load_idx %arg7[%parallel_loop3A_127, %mul3A_5] : memref<512x32xf32, #tpu.memory_space<vmem>>[vector<16xi32>, vector<16xi32>], vector<16xf32>,
          %parallel_loop3A_129 = tpu.vector_load_idx %arg7[%parallel_loop3A_127, %add3A_8] : memref<512x32xf32, #tpu.memory_space<vmem>>[vector<16xi32>, vector<16xi32>], vector<16xf32>,
          %parallel_loop3A_130 = tpu.pack_subelements %parallel_loop3A_128, %parallel_loop3A_129 {pack_format = #tpu.pack_format<interleaved>, positions = array<i32: 0, 1>} : vector<16xf32>, vector<16xf32> -> vector<32xbf16>
          %parallel_loop3A_131 = arith.index_cast %parallel_loop3A_126 : i32 to index
          %parallel_loop3A_132 = arith.constant 0 : index
          %parallel_loop3A_133 = tpu.vector_load %arg9[%parallel_loop3A_131, %parallel_loop3A_132] {strides = array<i32>} : memref<512x32xbf16, #tpu.memory_space<vmem>>, vector<32xbf16>,
          tpu.vector_store %arg9[%parallel_loop3A_131, %parallel_loop3A_132], %parallel_loop3A_130 {strides = array<i32>} : memref<512x32xbf16, #tpu.memory_space<vmem>>, vector<32xbf16>,
        } {sc.loop_unroll_factor = 8 : i64, sc.parallel_access}
        %mul3A_117 = arith.constant 4 : i32
        %mul3A_118 = arith.muli %scan3A_64, %mul3A_117 : i32
        %add3A_119 = arith.addi %mul3A_2, %mul3A_118 : i32
        %mul3A_120 = arith.constant 128 : i32
        %mul3A_121 = arith.muli %add3A_119, %mul3A_120 : i32
        %dma_start3A_122 = arith.constant 0 : i32
        %dma_start3A_123 = tpu.memref_slice %arg4[%mul3A_121, %dma_start3A_122] : memref<819200x32xbf16, #tpu.memory_space<hbm>> -> memref<512x32xbf16, #tpu.memory_space<hbm>>
        %dma_start3A_124 = arith.constant 0 : i32
        %dma_start3A_125 = tpu.memref_slice %arg4[%mul3A_121, %dma_start3A_124] : memref<819200x32xbf16, #tpu.memory_space<hbm>> -> memref<512x32xbf16, #tpu.memory_space<hbm>>
        tpu.enqueue_dma source(%arg9 : memref<512x32xbf16, #tpu.memory_space<vmem>>) target(%dma_start3A_125 : memref<512x32xbf16, #tpu.memory_space<hbm>>) target_semaphore(%arg13 : memref<!tpu.dma_semaphore, #tpu.memory_space<semaphore_mem>>)
      } else {
      }
    }
    %scan3A_52 = arith.constant 50 : i32
    %dma_wait3A = arith.constant 0 : i32
    %dma_wait3A_53 = arith.constant 0 : i32
    %dma_wait3A_54 = tpu.memref_slice %arg4[%dma_wait3A, %dma_wait3A_53] : memref<819200x32xbf16, #tpu.memory_space<hbm>> -> memref<512x32xbf16, #tpu.memory_space<hbm>>
    %dma_wait3A_55 = arith.constant 0 : i32
    %dma_wait3A_56 = arith.constant 0 : i32
    %dma_wait3A_57 = tpu.memref_slice %arg4[%dma_wait3A_55, %dma_wait3A_56] : memref<819200x32xbf16, #tpu.memory_space<hbm>> -> memref<512x32xbf16, #tpu.memory_space<hbm>>
    tpu.wait_dma2 semaphore(%arg12 : memref<!tpu.dma_semaphore, #tpu.memory_space<semaphore_mem>>) src(%arg8 : memref<512x32xbf16, #tpu.memory_space<vmem>>) dst(%dma_wait3A_57 : memref<512x32xbf16, #tpu.memory_space<hbm>>)
    %dma_wait3A_58 = arith.constant 0 : i32
    %dma_wait3A_59 = arith.constant 0 : i32
    %dma_wait3A_60 = tpu.memref_slice %arg4[%dma_wait3A_58, %dma_wait3A_59] : memref<819200x32xbf16, #tpu.memory_space<hbm>> -> memref<512x32xbf16, #tpu.memory_space<hbm>>
    %dma_wait3A_61 = arith.constant 0 : i32
    %dma_wait3A_62 = arith.constant 0 : i32
    %dma_wait3A_63 = tpu.memref_slice %arg4[%dma_wait3A_61, %dma_wait3A_62] : memref<819200x32xbf16, #tpu.memory_space<hbm>> -> memref<512x32xbf16, #tpu.memory_space<hbm>>
    tpu.wait_dma2 semaphore(%arg13 : memref<!tpu.dma_semaphore, #tpu.memory_space<semaphore_mem>>) src(%arg9 : memref<512x32xbf16, #tpu.memory_space<vmem>>) dst(%dma_wait3A_63 : memref<512x32xbf16, #tpu.memory_space<hbm>>)
    return
  }
}

</mosaic_0001>

<sc_bundles>
// kernel: kernel.3.cloned.1.call-start
scs
__scs_entry_jumppad:
0x0: {  	(pc) =	sbr.rel $0x88, $3  }
0x1: {  	(tag) =	ssettag $0x0;
	lr =	simm.s32 $0x1  }
0x2: {  	[smem:$0x3F9F] =	sst lr;
	_ =	strace $0xD0000000  }
0x3: {  	_ = 	snop  }
0x4: {  	_ = 	snop  }
0x5: {  	_ = 	snop  }
0x6: {  	_ = 	snop  }
0x7: {  	_ = 	snop  }
__scs_overlays_trampoline_lowered:
0x8: {  	[smem:$0x3FAE] =	sst s0  }
0x9: {  	[smem:$0x3FAF] =	sst s1  }
0xa: {  	[smem:$0x3FB0] =	sst s2  }
0xb: {  	[smem:$0x3FB1] =	sst s3  }
0xc: {  	[smem:$0x3FB2] =	sst s4  }
0xd: {  	[smem:$0x3FB3] =	sst s5  }
0xe: {  	[smem:$0x3FB4] =	sst s6  }
0xf: {  	[smem:$0x3FB5] =	sst s7  }
0x10: {  	[smem:$0x3FB6] =	sst s8  }
0x11: {  	[smem:$0x3FB7] =	sst s9;
	s0 =	simm.s32 @!p0 $0x0  }
0x12: {  	s1 =	sld [smem:$0x3F9D];
	s0 =	simm.s32 @p0 $0x1  }
0x13: {  	[smem:$0x3FB8] =	sst s0;
	s0 =	simm.s32 @!p1 $0x0  }
0x14: {  	s2 =	sld [smem:$0x3F9C];
	s0 =	simm.s32 @p1 $0x1  }
0x15: {  	[smem:$0x3FB9] =	sst s0;
	s0 =	simm.s32 @!p2 $0x0  }
0x16: {  	s3 =	sld [smem:$0x3FDB];
	s0 =	simm.s32 @p2 $0x1  }
0x17: {  	s4 =	simm.s32 $0x1BF5;
	[smem:$0x3FBB] =	sst s0  }
0x18: {  	s0 =	sld [smem:$0x3F9E];
	_ =	swait.ge [sflag:s4], $0x0  }
0x19: {  	s7 =	sld [smem:$0x3F9F]  }
0x1a: {  	s8 =	sadd.s32 $0xFFFFE003, lr  }
0x1b: {  	s9 =	sadd.s32 $0xFFFFFEF7, lr;
	s5 =	simm.s32 $0xFFFFFFFF;
	p2 =	slt.u32 s8, $0xFFFFF086  }
0x1c: {  	p1 =	slt.u32 s9, $0xF7A;
	s5 =	simm.s32 @!p2 $0x0  }
0x1d: {  	s5 =	simm.s32 @p1 $0x1;
	p0 =	seq.s32 s7, s2  }
0x1e: {  	s7 =	smul.u32 @!p0 $0xF7A, s2;
	p2 =	seq.s32 @!p0 s5, $0x0  }
0x1f: {  	s9 =	smul.u32 $0xF7A, s1;
	s8 =	simm.s32 @!p0 $0x1BF5;
	p2 =	por !p2, p0  }
0x20: {  	[sflag:s8] =	ssyncset.s32 @!p0 $0xFFFFF086;
	s6 =	sadd.s32 @!p0 s3, s7;
	s7 =	simm.s32 @!p0 $0x108  }
0x21: {  	s3 =	sadd.s32 s3, s9;
	s6 =	sadd.s32 @!p0 $0x88, s6;
	s7 =	simm.s32 @p2 $0x1082  }
0x22: {  	[simem:s7], [sflag:s8] =	dma.local @!p0 [hbm:s6], $0xF7A  }
0x23: {  	s9 =	sor.u32 $0xD0000000, s2;
	s6 =	simm.s32 $0x108;
	_ =	swait.ge @!p0 [sflag:s8], $0x0  }
0x24: {  	s3 =	sadd.s32 $0x88, s3;
	s6 =	simm.s32 @!p1 $0x1082;
	[sflag:s4] =	ssyncset.s32 $0xFFFFF086  }
0x25: {  	[simem:s6], [sflag:s4] =	dma.local [hbm:s3], $0xF7A  }
0x26: {  	[smem:$0x3F9F] =	sst s1;
	(tag) =	ssettag s2;
	_ =	strace s9  }
0x27: {  	s1 =	sld [smem:$0x3FAF]  }
0x28: {  	s2 =	sld [smem:$0x3FB0]  }
0x29: {  	s4 =	sld [smem:$0x3FB2]  }
0x2a: {  	p0 =	seq.s32 s5, $0x0;
	s5 =	sld [smem:$0x3FB3]  }
0x2b: {  	s6 =	sld [smem:$0x3FB4]  }
0x2c: {  	s7 =	sld [smem:$0x3FB5]  }
0x2d: {  	s3 =	simm.s32 $0x108;
	s8 =	sld [smem:$0x3FB6]  }
0x2e: {  	s3 =	simm.s32 @!p0 $0x1082;
	s9 =	sld [smem:$0x3FB7]  }
0x2f: {  	lr =	sadd.s32 s0, s3;
	s0 =	sld [smem:$0x3FAE]  }
0x30: {  	s3 =	sld [smem:$0x3FB1]  }
0x31: {  	[smem:$0x3FBA] =	sst s10  }
0x32: {  	s10 =	sld [smem:$0x3FB8];
	_ =	sdelay $0x3  }
0x33: {  	p0 =	seq.s32 s10, $0x1;
	s10 =	sld [smem:$0x3FBA];
	_ =	sdelay $0x3  }
0x34: {  	[smem:$0x3FBA] =	sst s10  }
0x35: {  	s10 =	sld [smem:$0x3FB9];
	_ =	sdelay $0x3  }
0x36: {  	p1 =	seq.s32 s10, $0x1;
	s10 =	sld [smem:$0x3FBA];
	_ =	sdelay $0x3  }
0x37: {  	[smem:$0x3FBA] =	sst s10  }
0x38: {  	s10 =	sld [smem:$0x3FBB]  }
0x39: {  	_ = 	snop;
	(pc) =	sbr.ind lr, $3  }
0x3a: {  	_ = 	snop  }
0x3b: {  	_ = 	snop  }
0x3c: {  	p2 =	seq.s32 s10, $0x1;
	s10 =	sld [smem:$0x3FBA]  }
0x3d: {  	_ =	shalt  }
0x3e: {  	_ =	shalt  }
0x3f: {  	_ =	shalt  }
0x40: {  	_ =	shalt  }
0x41: {  	_ =	shalt  }
0x42: {  	_ =	shalt  }
0x43: {  	_ =	shalt  }
0x44: {  	_ =	shalt  }
0x45: {  	_ =	shalt  }
0x46: {  	_ =	shalt  }
0x47: {  	_ =	shalt  }
0x48: {  	_ =	shalt  }
0x49: {  	_ =	shalt  }
0x4a: {  	_ =	shalt  }
0x4b: {  	_ =	shalt  }
0x4c: {  	_ =	shalt  }
0x4d: {  	_ =	shalt  }
0x4e: {  	_ =	shalt  }
0x4f: {  	_ =	shalt  }
0x50: {  	_ =	shalt  }
0x51: {  	_ =	shalt  }
0x52: {  	_ =	shalt  }
0x53: {  	_ =	shalt  }
0x54: {  	_ =	shalt  }
0x55: {  	_ =	shalt  }
0x56: {  	_ =	shalt  }
0x57: {  	_ =	shalt  }
0x58: {  	_ =	shalt  }
0x59: {  	_ =	shalt  }
0x5a: {  	_ =	shalt  }
0x5b: {  	_ =	shalt  }
0x5c: {  	_ =	shalt  }
0x5d: {  	_ =	shalt  }
0x5e: {  	_ =	shalt  }
0x5f: {  	_ =	shalt  }
0x60: {  	_ =	shalt  }
0x61: {  	_ =	shalt  }
0x62: {  	_ =	shalt  }
0x63: {  	_ =	shalt  }
0x64: {  	_ =	shalt  }
0x65: {  	_ =	shalt  }
0x66: {  	_ =	shalt  }
0x67: {  	_ =	shalt  }
0x68: {  	_ =	shalt  }
0x69: {  	_ =	shalt  }
0x6a: {  	_ =	shalt  }
0x6b: {  	_ =	shalt  }
0x6c: {  	_ =	shalt  }
0x6d: {  	_ =	shalt  }
0x6e: {  	_ =	shalt  }
0x6f: {  	_ =	shalt  }
0x70: {  	_ =	shalt  }
0x71: {  	_ =	shalt  }
0x72: {  	_ =	shalt  }
0x73: {  	_ =	shalt  }
0x74: {  	_ =	shalt  }
0x75: {  	_ =	shalt  }
0x76: {  	_ =	shalt  }
0x77: {  	_ =	shalt  }
0x78: {  	_ =	shalt  }
0x79: {  	_ =	shalt  }
0x7a: {  	_ =	shalt  }
0x7b: {  	_ =	shalt  }
0x7c: {  	_ =	shalt  }
0x7d: {  	_ =	shalt  }
0x7e: {  	_ =	shalt  }
0x7f: {  	_ =	shalt  }
0x80: {  	_ =	shalt  }
0x81: {  	_ =	shalt  }
0x82: {  	_ =	shalt  }
0x83: {  	_ =	shalt  }
0x84: {  	_ =	shalt  }
0x85: {  	_ =	shalt  }
0x86: {  	_ =	shalt  }
0x87: {  	_ =	shalt  }
.Lfunc_end0:
.L_simem_size_0:
called_computation.2_lowered:
.L_overlay_start_0:
0x88: {  	s2 =	sld [smem:$0x3FD9]  }
0x89: {  	s3 =	sld [smem:$0x3FFE];
	_ =	sdelay $0x1  }
0x8a: {  	s1 =	srdreg.scid  }
0x8b: {  	s0 =	sand.u32 $0x1, s1  }
0x8c: {  	s17 =	sshll.u32 s0, $0xA;
	s2 =	sadd.s32 s3, s2  }
0x8d: {  	s2 =	sadd.s32 s2, s17  }
0x8e: {  	[smem:$0x3FC6] =	sst s2  }
0x8f: {  	_ = 	snop  }
0x90: {  	s2 =	sld [smem:$0x3FD0];
	(tm) =	ssettm $0x1  }
0x91: {  	s18 =	sld [smem:$0x3FFB];
	_ =	sdelay $0x3  }
0x92: {  	_ =	strace s18  }
0x93: {  	s3 =	sld [smem:$0x3FFC];
	_ =	sdelay $0x3  }
0x94: {  	_ =	strace s3  }
0x95: {  	s3 =	sld [smem:$0x3FFD];
	_ =	sdelay $0x3  }
0x96: {  	_ =	strace s3  }
0x97: {  	_ =	strace $0x8FFFFFFF  }
0x98: {  	s19 =	sld [smem:$0x3FDB];
	_ =	sdelay $0x1  }
0x99: {  	s4 =	simm.s32 $_scs_section_size  }
0x9a: {  	s5 =	simm.s32 $_size__tile_overlayer_lowered;
	s6 =	simm.s32 $_tile_overlayer_lowered  }
0x9b: {  	s22 =	simm.s32 $0x1BFF;
	s21 =	sshll.u32 s6, $0x1;
	s3 =	sadd.s32 s4, s19  }
0x9c: {  	s7 =	simm.s32 $0x0;
	s20 =	sshll.u32 s5, $0x1;
	s5 =	sadd.s32 s21, s3  }
0x9d: {  	[timem:s7], [sflag:s22] =	dma.local [hbm:s5], s20  }
0x9e: {  	_ =	swait.ge [sflag:s22], s20  }
0x9f: {  	s4 =	ssub.s32 $0x0, s20;
	[sflag:s22] =	ssyncset.done $0x0  }
0xa0: {  	[sflag:s22] =	ssyncadd.s32 s4;
	_ =	sdelay $0x1  }
0xa1: {  	s23 =	simm.s32 $0x1B8B  }
0xa2: {  	_ =	swait.ge [sflag:s23], $0x1  }
0xa3: {  	[sflag:s23] =	ssyncset.done $0x0  }
0xa4: {  	s25 =	simm.s32 $0x1B8E;
	s24 =	sld [smem:$0x3FFE];
	[sflag:s23] =	ssyncadd.s32 $0xFFFFFFFF  }
0xa5: {  	s26 =	simm.s32 $execute0_lowered;
	[smem:$0x3FD2] =	sst s25  }
0xa6: {  	s5 =	sshll.u32 s26, $0x1;
	_ =	strace $0x80000046;
	[dreg:$0x1] =	wrdreg $0xFFFFFFFF  }
0xa7: {  	s28 =	simm.s32 $_size_execute0_lowered;
	s3 =	sadd.s32 s3, s5;
	[dreg:$0x0] =	wrdreg $0x0  }
0xa8: {  	s5 =	sshll.u32 s28, $0x1;
	[dreg:$0x2] =	wrdreg s3  }
0xa9: {  	[dreg:$0x3] =	wrdreg s5  }
0xaa: {  	[dreg:$0x4] =	wrdreg $0xC0  }
0xab: {  	_ =	task [dreg:s7], $0x5FFFF  }
0xac: {  	[dreg:$0x1] =	wrdreg $0xFFFFFFFF  }
0xad: {  	[dreg:$0x0] =	wrdreg $0x60  }
0xae: {  	[dreg:$0x2] =	wrdreg s2  }
0xaf: {  	[dreg:$0x3] =	wrdreg s24  }
0xb0: {  	[dreg:$0x4] =	wrdreg $0x9  }
0xb1: {  	_ =	task.clear_ibuf [dreg:s7], $0x5FFFF;
	_ =	strace $0x90000046  }
0xb2: {  	s29 =	simm.s32 $0x9;
	_ =	strace $0x80000048  }
0xb3: {  	_ =	swait.ge [sflag:s29], $0x1  }
0xb4: {  	[sflag:s29] =	ssyncadd.s32 $0xFFFFFFFF  }
0xb5: {  	_ =	strace $0x90000048  }
0xb6: {  	_ =	sfence  }
0xb7: {  	s30 =	sld [smem:$0x0];
	_ =	sdelay $0x2  }
0xb8: {  	s31 =	sshll.u32 s1, $0xD;
	s1 =	sshrl.u32 s1, $0x2  }
0xb9: {  	s3 =	sand.u32 $0x4000, s31;
	s1 =	sadd.s32 s1, s30  }
0xba: {  	s0 =	sor.u32 s3, s0;
	s1 =	sshll.u32 s1, $0x11  }
0xbb: {  	s0 =	sor.u32 s1, s0  }
0xbc: {  	s0 =	sadd.s32 $0x8F2B, s0  }
0xbd: {  	[sflag:s0] =	ssyncadd.remote.s32 $0x1  }
0xbe: {  	_ =	sfence.sel $0xFFFF  }
0xbf: {  	[dreg:$0x0] =	wrdreg $0xFFFFFFFF;
	(pc) =	sbr.abs _section_cstart, $3  }
0xc0: {  	[dreg:$0x1] =	wrdreg $0xFFFFFFFF  }
0xc1: {  	_ =	task.clear_ibuf [dreg:s7], $0x2FFFF;
	_ =	strace $0x9FFFFFFF  }
0xc2: {  	(tm) =	ssettm $0x7FFFFFFF  }
0xc3: {  	_ =	shalt  }
tec
execute0_lowered:
.L_overlay_start_1:
0x0: {  	(tag) =	ssettag $0x1  }
0x1: {  	s0 =	rddreg [dreg:$0x0]  }
0x2: {  	s1 =	srdreg.scid;
	s2 =	stileid.u32  }
0x3: {  	s4 =	rddreg [dreg:$0x1];
	s8 =	simm.s32 $0x5;
	s9 =	simm.s32 $0x80  }
0x4: {  	s10 =	simm.s32 $0x6400;
	s14 =	simm.s32 $0x180;
	s15 =	simm.s32 $0x9400  }
0x5: {  	s16 =	simm.s32 $0x2;
	s17 =	simm.s32 $0xA400;
	s18 =	simm.s32 $0x10400  }
0x6: {  	s19 =	simm.s32 $0x3;
	s20 =	simm.s32 $0x4;
	s21 =	simm.s32 $0xB400  }
0x7: {  	s22 =	simm.s32 $0xC400;
	s23 =	simm.s32 $0xD400;
	s24 =	simm.s32 $0x1  }
0x8: {  	s25 =	simm.s32 $0xE400;
	s26 =	simm.s32 $0x0;
	s1 =	sand.u32 $0x1, s1  }
.Ltmp0:
0x9: {  	s3 =	sshll.u32 s2, $0x1;
	s2 =	simm.s32 $0x0;
	(pc) =	sbr.rel .LBB2_1-.Ltmp0, $4  }
0xa: {  	v0 =	vlaneseq.u32;
	s6 =	sor.u32 s1, s3;
	[smem:$0x7FF] =	sst s2;
	s1 =	ssub.s32 $0x2, s1  }
0xb: {  	v0 =	vmul.u32 $0x2, v0;
	s3 =	sadd.s32 $0xF43200, s4;
	s5 =	smul.u32 $0xC80, s6;
	s7 =	sshrl.u32 s1, $0x1  }
0xc: {  	s4 =	sadd.s32 $0xE00, s4;
	_ =	strace $0x80000047;
	s1 =	ssub.s32 s1, s7  }
0xd: {  	s6 =	smul.u32 $0xC8000, s6;
	v1 =	vor.u32 $0x1, v0;
	s5 =	sadd.s32 s0, s5;
	s7 =	smax.u32 s1, $0x1  }
.LBB2_10:
0xe: {  	s26 =	sadd.s32 $0x1, s26  }
0xf: {  	_ =	swait.ge [sflag:s19], $0x2000;
	p0 =	sne.s32 s26, s7  }
.Ltmp1:
0x10: {  	[sflag:s19] =	ssyncset.done $0x0;
	(pc) =	sbr.rel @!p0 .LBB2_11-.Ltmp1, $4  }
0x11: {  	[sflag:s19] =	ssyncadd.s32 $0xFFFFE000  }
0x12: {  	_ =	swait.ge [sflag:s20], $0x2000  }
0x13: {  	[sflag:s20] =	ssyncset.done $0x0  }
0x14: {  	[sflag:s20] =	ssyncadd.s32 $0xFFFFE000  }
.LBB2_1:
0x15: {  	[tilespmem:s2], [sflag:$0x5] =	stream.linear.gather [hbm4b:s5+s2], $0x6400, $0x38;
	[tilespmem:$0x12400] =	vst v63  }
0x16: {  	_ =	swait.ge [sflag:s8], $0x6400  }
0x17: {  	[sflag:s8] =	ssyncset.done $0x0  }
0x18: {  	[sflag:s8] =	ssyncadd.s32 $0xFFFF9C00  }
0x19: {  	[tilespmem:s10], [sflag:$0x1] =	stream.indirect.gather [hbm4b:s3+s9], $0x20, s2, s9, $0xb8;
	[tilespmem:$0x12400] =	vst v63  }
0x1a: {  	s0 =	simm.s32 $0x7400  }
0x1b: {  	[tilespmem:s0], [sflag:$0x1] =	stream.indirect.gather [hbm4b:s3+s9], $0x20, s9, s9, $0xb8;
	[tilespmem:$0x12400] =	vst v63  }
.Ltmp2:
0x1c: {  	_ = 	snop;
	(pc) =	sbr.rel .LBB2_2-.Ltmp2, $4  }
0x1d: {  	s31 =	simm.s32 $0x100;
	s1 =	simm.s32 $0x8400  }
0x1e: {  	[tilespmem:s1], [sflag:$0x1] =	stream.indirect.gather [hbm4b:s3+s9], $0x20, s31, s9, $0xb8;
	[tilespmem:$0x12400] =	vst v63  }
0x1f: {  	s28 =	simm.s32 $0x0  }
0x20: {  	[tilespmem:s15], [sflag:$0x1] =	stream.indirect.gather [hbm4b:s3+s9], $0x20, s14, s9, $0xb8;
	[tilespmem:$0x12400] =	vst v63  }
.LBB2_9:
0x21: {  	s28 =	sadd.s32 $0x1, s28  }
0x22: {  	p0 =	sne.s32 s28, $0x32  }
.Ltmp3:
0x23: {  	_ = 	snop;
	(pc) =	sbr.rel @!p0 .LBB2_10-.Ltmp3, $1  }
0x24: {  	_ =	sdelay $0x3  }
.LBB2_2:
0x25: {  	s29 =	sand.u32 $0x1, s28  }
0x26: {  	p0 =	seq.s32 s29, $0x1  }
.Ltmp4:
0x27: {  	_ = 	snop;
	(pc) =	sbr.rel @p0 .LBB2_6-.Ltmp4, $1  }
0x28: {  	_ =	sdelay $0x3  }
0x29: {  	s0 =	sshll.u32 s28, $0x9  }
0x2a: {  	s0 =	sand.u32 $0x3FFFFE00, s0  }
0x2b: {  	s1 =	sadd.s32 $0x200, s0  }
0x2c: {  	[tilespmem:s17], [sflag:$0x2] =	stream.indirect.gather [hbm4b:s3+s9], $0x20, s1, s9, $0xb8;
	[tilespmem:$0x12400] =	vst v63  }
0x2d: {  	s11 =	sadd.s32 $0x280, s0  }
0x2e: {  	[tilespmem:s21], [sflag:$0x2] =	stream.indirect.gather [hbm4b:s3+s9], $0x20, s11, s9, $0xb8;
	[tilespmem:$0x12400] =	vst v63  }
0x2f: {  	s12 =	sadd.s32 $0x300, s0  }
0x30: {  	[tilespmem:s22], [sflag:$0x2] =	stream.indirect.gather [hbm4b:s3+s9], $0x20, s12, s9, $0xb8;
	[tilespmem:$0x12400] =	vst v63  }
0x31: {  	s0 =	sadd.s32 $0x380, s0  }
0x32: {  	[tilespmem:s23], [sflag:$0x2] =	stream.indirect.gather [hbm4b:s3+s9], $0x20, s0, s9, $0xb8;
	[tilespmem:$0x12400] =	vst v63  }
0x33: {  	s0 =	simm.s32 $0x0;
	_ =	swait.ge [sflag:s24], $0x4000  }
0x34: {  	p0 =	slt.u32 s28, $0x2;
	s13 =	simm.s32 $0xE0;
	v2 =	vor.u32 s0, v0;
	[sflag:s24] =	ssyncset.done $0x0  }
0x35: {  	v3 =	vor.u32 s13, v0;
	s11 =	simm.s32 @!p0 $0x3;
	[sflag:s24] =	ssyncadd.s32 $0xFFFFC000  }
0x36: {  	s30 =	simm.s32 $0x20;
	v4 =	vor.u32 s13, v1;
	_ =	swait.ge @!p0 [sflag:s11], $0x2000  }
0x37: {  	v5 =	vor.u32 s30, v0;
	[sflag:s11] =	ssyncset.done @!p0 $0x0  }
0x38: {  	v6 =	vor.u32 s30, v1;
	s12 =	simm.s32 $0x60;
	[sflag:s11] =	ssyncadd.s32 @!p0 $0xFFFFE000  }
0x39: {  	v10 =	vor.u32 s12, v0;
	v2 =	vld.idx.msk [tilespmem:v2+s10+$0x0], $0xffff  }
0x3a: {  	v12 =	vor.u32 s12, v1;
	s11 =	simm.s32 $0x40;
	v9 =	vld.idx.msk [tilespmem:v3+s10+$0x0], $0xffff  }
0x3b: {  	s13 =	simm.s32 $0x80;
	v8 =	vor.u32 s11, v1;
	v11 =	vld.idx.msk [tilespmem:v4+s10+$0x0], $0xffff  }
0x3c: {  	v13 =	vor.u32 s13, v0;
	v15 =	vld.idx.msk [tilespmem:v5+s10+$0x0], $0xffff  }
0x3d: {  	v17 =	vor.u32 s13, v1;
	v16 =	vld.idx.msk [tilespmem:v6+s10+$0x0], $0xffff  }
0x3e: {  	s12 =	simm.s32 $0xA0;
	v7 =	vor.u32 s11, v0;
	v4 =	vld.idx.msk [tilespmem:v10+s10+$0x0], $0xffff  }
0x3f: {  	v18 =	vor.u32 s12, v0;
	v6 =	vld.idx.msk [tilespmem:v12+s10+$0x0], $0xffff  }
0x40: {  	s13 =	simm.s32 $0xC0;
	v14 =	vor.u32 s12, v1;
	v5 =	vld.idx.msk [tilespmem:v8+s10+$0x0], $0xffff  }
0x41: {  	v8 =	vld.idx.msk [tilespmem:v13+s10+$0x0], $0xffff;
	v13 =	vor.u32 s13, v0  }
0x42: {  	s30 =	simm.s32 $0xE440;
	v10 =	vld.idx.msk [tilespmem:v17+s10+$0x0], $0xffff;
	v9 =	vpack.i.f32.bf16 v11, v9;
	v11 =	vor.u32 s13, v1  }
0x43: {  	s1 =	simm.s32 $0x100;
	v3 =	vld.idx.msk [tilespmem:v7+s10+$0x0], $0xffff;
	v7 =	vor.u32 s0, v1;
	v12 =	vpack.i.f32.bf16 v16, v15;
	[tilespmem:s30+$0x30] =	vst v9  }
0x44: {  	s31 =	simm.s32 $0x10;
	s11 =	simm.s32 $0x120;
	v15 =	vor.u32 s1, v0;
	s0 =	simm.s32 $0x1E0;
	v9 =	vor.u32 s1, v1;
	[tilespmem:s30+$0xFFFFFFD0] =	vst v12;
	v12 =	vld.idx.msk [tilespmem:v18+s10+$0x0], $0xffff  }
.LBB2_4:
0x45: {  	p0 =	slt.u32 s31, $0x1F8;
	v16 =	vor.u32 s11, v0;
	v17 =	vor.u32 s11, v1;
	s11 =	sadd.s32 $0x40, s1;
	s12 =	sadd.s32 $0x60, s1;
	v18 =	vor.u32 s0, v0;
	v19 =	vld.idx.msk [tilespmem:v14+s10+$0x0], $0xffff  }
0x46: {  	s13 =	sadd.s32 $0xA0, s1;
	v22 =	vor.u32 s0, v1;
	v20 =	vor.u32 s11, v0;
	v21 =	vor.u32 s11, v1;
	s11 =	sadd.s32 $0x80, s1;
	s1 =	sadd.s32 $0xC0, s1;
	v23 =	vld.idx.msk [tilespmem:v13+s10+$0x0], $0xffff  }
0x47: {  	v24 =	vor.u32 s12, v0;
	v25 =	vor.u32 s12, v1;
	v26 =	vor.u32 s11, v0;
	v27 =	vld.idx.msk [tilespmem:v11+s10+$0x0], $0xffff  }
0x48: {  	v29 =	vor.u32 s13, v0;
	v14 =	vor.u32 s13, v1;
	v28 =	vor.u32 s11, v1;
	v30 =	vld.idx.msk [tilespmem:v7+s10+$0x0], $0xffff;
	v7 =	vmovc v9  }
0x49: {  	v3 =	vpack.i.f32.bf16 v5, v3;
	v13 =	vor.u32 s1, v0;
	v11 =	vor.u32 s1, v1;
	v9 =	vld.idx.msk [tilespmem:v15+s10+$0x0], $0xffff  }
0x4a: {  	v15 =	vld.idx.msk [tilespmem:v18+s10+$0x0], $0xffff;
	[tilespmem:s30+$0xFFFFFFE0] =	vst v3;
	v3 =	vpack.i.f32.bf16 v6, v4;
	v4 =	vpack.i.f32.bf16 v10, v8  }
0x4b: {  	v8 =	vld.idx.msk [tilespmem:v22+s10+$0x0], $0xffff;
	[tilespmem:s30+$0xFFFFFFF0] =	vst v3;
	v3 =	vpack.i.f32.bf16 v19, v12  }
0x4c: {  	v10 =	vld.idx.msk [tilespmem:v16+s10+$0x0], $0xffff;
	[tilespmem:s30+$0x0] =	vst v4  }
0x4d: {  	v4 =	vpack.i.f32.bf16 v27, v23;
	v12 =	vld.idx.msk [tilespmem:v17+s10+$0x0], $0xffff;
	[tilespmem:s30+$0x10] =	vst v3  }
0x4e: {  	v6 =	vpack.i.f32.bf16 v30, v2;
	v3 =	vld.idx.msk [tilespmem:v20+s10+$0x0], $0xffff;
	[tilespmem:s30+$0x20] =	vst v4  }
0x4f: {  	v2 =	vmov v9;
	v5 =	vld.idx.msk [tilespmem:v21+s10+$0x0], $0xffff;
	[tilespmem:s30+$0xFFFFFFC0] =	vst v6  }
.Ltmp5:
0x50: {  	v4 =	vld.idx.msk [tilespmem:v24+s10+$0x0], $0xffff;
	(pc) =	sbr.rel @p0 .LBB2_4-.Ltmp5, $4  }
0x51: {  	s30 =	sadd.s32 $0x80, s30;
	v9 =	vpack.i.f32.bf16 v8, v15;
	v6 =	vld.idx.msk [tilespmem:v25+s10+$0x0], $0xffff  }
0x52: {  	v8 =	vld.idx.msk [tilespmem:v26+s10+$0x0], $0xffff;
	[tilespmem:s30+$0x30] =	vst v9  }
0x53: {  	s1 =	sshll.u32 s31, $0x5;
	v12 =	vpack.i.f32.bf16 v12, v10;
	v10 =	vld.idx.msk [tilespmem:v28+s10+$0x0], $0xffff  }
0x54: {  	s31 =	sadd.s32 $0x8, s31;
	s11 =	sadd.s32 $0x20, s1;
	s0 =	sadd.s32 $0xE0, s1;
	v15 =	vor.u32 s1, v0;
	v9 =	vor.u32 s1, v1;
	[tilespmem:s30+$0xFFFFFFD0] =	vst v12;
	v12 =	vld.idx.msk [tilespmem:v29+s10+$0x0], $0xffff  }
0x55: {  	_ =	sdelay $0x3  }
0x56: {  	v16 =	vor.u32 s0, v0;
	v14 =	vld.idx.msk [tilespmem:v14+s10+$0x0], $0xffff  }
0x57: {  	v17 =	vor.u32 s0, v1;
	v13 =	vld.idx.msk [tilespmem:v13+s10+$0x0], $0xffff  }
0x58: {  	v18 =	vor.u32 s11, v0;
	v11 =	vld.idx.msk [tilespmem:v11+s10+$0x0], $0xffff  }
0x59: {  	v19 =	vor.u32 s11, v1;
	s11 =	sadd.s32 $0x40, s1;
	v7 =	vld.idx.msk [tilespmem:v7+s10+$0x0], $0xffff  }
0x5a: {  	v15 =	vld.idx.msk [tilespmem:v15+s10+$0x0], $0xffff;
	v20 =	vor.u32 s11, v0  }
0x5b: {  	s12 =	sadd.s32 $0x60, s1;
	v21 =	vor.u32 s11, v1;
	v16 =	vld.idx.msk [tilespmem:v16+s10+$0x0], $0xffff  }
0x5c: {  	v22 =	vor.u32 s12, v0;
	v17 =	vld.idx.msk [tilespmem:v17+s10+$0x0], $0xffff  }
0x5d: {  	s13 =	sadd.s32 $0x80, s1;
	v23 =	vor.u32 s12, v1;
	v18 =	vld.idx.msk [tilespmem:v18+s10+$0x0], $0xffff  }
0x5e: {  	v24 =	vor.u32 s13, v0;
	v19 =	vld.idx.msk [tilespmem:v19+s10+$0x0], $0xffff  }
0x5f: {  	s31 =	sadd.s32 $0xA0, s1;
	v25 =	vor.u32 s13, v1;
	v20 =	vld.idx.msk [tilespmem:v20+s10+$0x0], $0xffff  }
0x60: {  	v26 =	vor.u32 s31, v0;
	v21 =	vld.idx.msk [tilespmem:v21+s10+$0x0], $0xffff  }
0x61: {  	v3 =	vpack.i.f32.bf16 v5, v3;
	s12 =	sadd.s32 $0xC0, s1;
	v27 =	vor.u32 s31, v1;
	v52 =	vld.idx.msk [tilespmem:v22+s10+$0x0], $0xffff  }
0x62: {  	[tilespmem:s30+$0xFFFFFFE0] =	vst v3;
	v3 =	vpack.i.f32.bf16 v6, v4;
	v53 =	vor.u32 s12, v0;
	v54 =	vld.idx.msk [tilespmem:v23+s10+$0x0], $0xffff  }
0x63: {  	v55 =	vor.u32 s12, v1;
	[tilespmem:s30+$0xFFFFFFF0] =	vst v3;
	v8 =	vpack.i.f32.bf16 v10, v8;
	v3 =	vld.idx.msk [tilespmem:v24+s10+$0x0], $0xffff  }
0x64: {  	[tilespmem:s30+$0x0] =	vst v8;
	v56 =	vpack.i.f32.bf16 v14, v12;
	v57 =	vld.idx.msk [tilespmem:v25+s10+$0x0], $0xffff  }
0x65: {  	v58 =	vpack.i.f32.bf16 v11, v13;
	[tilespmem:s30+$0x10] =	vst v56;
	v59 =	vld.idx.msk [tilespmem:v26+s10+$0x0], $0xffff  }
0x66: {  	v2 =	vpack.i.f32.bf16 v7, v2;
	[tilespmem:s30+$0x20] =	vst v58;
	v60 =	vld.idx.msk [tilespmem:v27+s10+$0x0], $0xffff  }
0x67: {  	s13 =	sadd.s32 $0x80, s30;
	[tilespmem:s30+$0xFFFFFFC0] =	vst v2;
	v61 =	vld.idx.msk [tilespmem:v53+s10+$0x0], $0xffff;
	v2 =	vpack.i.f32.bf16 v17, v16  }
0x68: {  	v6 =	vld.idx.msk [tilespmem:v55+s10+$0x0], $0xffff;
	[tilespmem:s13+$0x30] =	vst v2;
	v2 =	vpack.i.f32.bf16 v19, v18  }
0x69: {  	v62 =	vpack.i.f32.bf16 v21, v20;
	[tilespmem:s13+$0xFFFFFFD0] =	vst v2;
	v2 =	vld.idx.msk [tilespmem:v9+s10+$0x0], $0xffff  }
0x6a: {  	v4 =	vpack.i.f32.bf16 v54, v52;
	[tilespmem:s13+$0xFFFFFFE0] =	vst v62  }
0x6b: {  	p0 =	seq.s32 s29, $0x0;
	v3 =	vpack.i.f32.bf16 v57, v3;
	[tilespmem:s13+$0xFFFFFFF0] =	vst v4  }
.Ltmp6:
0x6c: {  	s30 =	sshll.u32 s28, $0xE;
	v63 =	vpack.i.f32.bf16 v60, v59;
	[tilespmem:s13+$0x0] =	vst v3;
	(pc) =	sbr.rel @p0 .LBB2_9-.Ltmp6, $4  }
0x6d: {  	s1 =	sadd.s32 s6, s30;
	[tilespmem:s13+$0x10] =	vst v63;
	v3 =	vpack.i.f32.bf16 v6, v61  }
0x6e: {  	s1 =	sshrl.u32 s1, $0x4;
	[tilespmem:s13+$0x20] =	vst v3;
	v2 =	vpack.i.f32.bf16 v2, v15  }
0x6f: {  	s31 =	sadd.s32 s4, s1;
	[tilespmem:s13+$0xFFFFFFC0] =	vst v2  }
0x70: {  	[hbm4b:s31+s2] =	stream.linear.scatter [tilespmem:s25], [sflag:$0x3], $0x2000, $0x38;
	[tilespmem:$0x12400] =	vst v63  }
.LBB2_6:
0x71: {  	p0 =	seq.s32 s28, $0x31  }
0x72: {  	s0 =	sshll.u32 @!p0 s28, $0x9  }
0x73: {  	s0 =	sand.u32 @!p0 $0x3FFFFE00, s0  }
0x74: {  	s11 =	simm.s32 @!p0 $0x80;
	s12 =	simm.s32 @!p0 $0x6400;
	s1 =	sadd.s32 @!p0 $0x200, s0  }
0x75: {  	[tilespmem:s12], [sflag:$0x1] =	stream.indirect.gather @!p0 [hbm4b:s3+s11], $0x20, s1, s11, $0xb8;
	[tilespmem:$0x12400] =	vst v63  }
0x76: {  	s1 =	sadd.s32 @!p0 $0x280, s0;
	s12 =	simm.s32 @!p0 $0x7400  }
0x77: {  	[tilespmem:s12], [sflag:$0x1] =	stream.indirect.gather @!p0 [hbm4b:s3+s11], $0x20, s1, s11, $0xb8;
	[tilespmem:$0x12400] =	vst v63  }
0x78: {  	s1 =	sadd.s32 @!p0 $0x300, s0;
	s12 =	simm.s32 @!p0 $0x8400  }
0x79: {  	[tilespmem:s12], [sflag:$0x1] =	stream.indirect.gather @!p0 [hbm4b:s3+s11], $0x20, s1, s11, $0xb8;
	[tilespmem:$0x12400] =	vst v63  }
0x7a: {  	s0 =	sadd.s32 @!p0 $0x380, s0;
	s1 =	simm.s32 @!p0 $0x9400  }
0x7b: {  	[tilespmem:s1], [sflag:$0x1] =	stream.indirect.gather @!p0 [hbm4b:s3+s11], $0x20, s0, s11, $0xb8;
	[tilespmem:$0x12400] =	vst v63  }
0x7c: {  	s0 =	simm.s32 $0x0;
	_ =	swait.ge [sflag:s16], $0x4000  }
0x7d: {  	s13 =	simm.s32 $0xE0;
	p0 =	slt.u32 s28, $0x2;
	v2 =	vor.u32 s0, v0;
	[sflag:s16] =	ssyncset.done $0x0  }
0x7e: {  	v3 =	vor.u32 s13, v0;
	s11 =	simm.s32 @!p0 $0x4;
	[sflag:s16] =	ssyncadd.s32 $0xFFFFC000  }
0x7f: {  	s31 =	simm.s32 $0x20;
	v4 =	vor.u32 s13, v1;
	_ =	swait.ge @!p0 [sflag:s11], $0x2000  }
0x80: {  	v5 =	vor.u32 s31, v0;
	[sflag:s11] =	ssyncset.done @!p0 $0x0  }
0x81: {  	v6 =	vor.u32 s31, v1;
	s13 =	simm.s32 $0x40;
	[sflag:s11] =	ssyncadd.s32 @!p0 $0xFFFFE000  }
0x82: {  	v7 =	vor.u32 s13, v0;
	v2 =	vld.idx.msk [tilespmem:v2+s17+$0x0], $0xffff  }
0x83: {  	s31 =	simm.s32 $0x60;
	v8 =	vor.u32 s13, v1;
	v9 =	vld.idx.msk [tilespmem:v3+s17+$0x0], $0xffff  }
0x84: {  	v10 =	vor.u32 s31, v0;
	s12 =	simm.s32 $0x80;
	v11 =	vld.idx.msk [tilespmem:v4+s17+$0x0], $0xffff  }
0x85: {  	v13 =	vor.u32 s12, v0;
	v15 =	vld.idx.msk [tilespmem:v5+s17+$0x0], $0xffff  }
0x86: {  	v12 =	vor.u32 s31, v1;
	v16 =	vld.idx.msk [tilespmem:v6+s17+$0x0], $0xffff  }
0x87: {  	s13 =	simm.s32 $0xA0;
	v17 =	vor.u32 s12, v1;
	v3 =	vld.idx.msk [tilespmem:v7+s17+$0x0], $0xffff  }
0x88: {  	v18 =	vor.u32 s13, v0;
	v5 =	vld.idx.msk [tilespmem:v8+s17+$0x0], $0xffff  }
0x89: {  	s31 =	simm.s32 $0xC0;
	v14 =	vor.u32 s13, v1;
	v4 =	vld.idx.msk [tilespmem:v10+s17+$0x0], $0xffff  }
0x8a: {  	v8 =	vld.idx.msk [tilespmem:v13+s17+$0x0], $0xffff;
	v13 =	vor.u32 s31, v0  }
0x8b: {  	s29 =	simm.s32 $0x10440;
	v6 =	vld.idx.msk [tilespmem:v12+s17+$0x0], $0xffff;
	v9 =	vpack.i.f32.bf16 v11, v9;
	v11 =	vor.u32 s31, v1  }
0x8c: {  	s1 =	simm.s32 $0x100;
	v7 =	vor.u32 s0, v1;
	v10 =	vld.idx.msk [tilespmem:v17+s17+$0x0], $0xffff;
	v12 =	vpack.i.f32.bf16 v16, v15;
	[tilespmem:s29+$0x30] =	vst v9  }
0x8d: {  	s30 =	simm.s32 $0x10;
	s11 =	simm.s32 $0x120;
	s0 =	simm.s32 $0x1E0;
	v15 =	vor.u32 s1, v0;
	v9 =	vor.u32 s1, v1;
	[tilespmem:s29+$0xFFFFFFD0] =	vst v12;
	v12 =	vld.idx.msk [tilespmem:v18+s17+$0x0], $0xffff  }
.LBB2_7:
0x8e: {  	p0 =	slt.u32 s30, $0x1F8;
	v16 =	vor.u32 s11, v0;
	v17 =	vor.u32 s11, v1;
	s11 =	sadd.s32 $0x40, s1;
	s12 =	sadd.s32 $0x60, s1;
	v18 =	vor.u32 s0, v0;
	v19 =	vld.idx.msk [tilespmem:v14+s17+$0x0], $0xffff  }
0x8f: {  	s13 =	sadd.s32 $0xA0, s1;
	v22 =	vor.u32 s0, v1;
	v20 =	vor.u32 s11, v0;
	v21 =	vor.u32 s11, v1;
	s11 =	sadd.s32 $0x80, s1;
	s1 =	sadd.s32 $0xC0, s1;
	v23 =	vld.idx.msk [tilespmem:v13+s17+$0x0], $0xffff  }
0x90: {  	v24 =	vor.u32 s12, v0;
	v25 =	vor.u32 s12, v1;
	v26 =	vor.u32 s11, v0;
	v27 =	vld.idx.msk [tilespmem:v11+s17+$0x0], $0xffff  }
0x91: {  	v29 =	vor.u32 s13, v0;
	v14 =	vor.u32 s13, v1;
	v28 =	vor.u32 s11, v1;
	v30 =	vld.idx.msk [tilespmem:v7+s17+$0x0], $0xffff;
	v7 =	vmovc v9  }
0x92: {  	v3 =	vpack.i.f32.bf16 v5, v3;
	v13 =	vor.u32 s1, v0;
	v11 =	vor.u32 s1, v1;
	v9 =	vld.idx.msk [tilespmem:v15+s17+$0x0], $0xffff  }
0x93: {  	v15 =	vld.idx.msk [tilespmem:v18+s17+$0x0], $0xffff;
	[tilespmem:s29+$0xFFFFFFE0] =	vst v3;
	v3 =	vpack.i.f32.bf16 v6, v4;
	v4 =	vpack.i.f32.bf16 v10, v8  }
0x94: {  	v8 =	vld.idx.msk [tilespmem:v22+s17+$0x0], $0xffff;
	[tilespmem:s29+$0xFFFFFFF0] =	vst v3;
	v3 =	vpack.i.f32.bf16 v19, v12  }
0x95: {  	v10 =	vld.idx.msk [tilespmem:v16+s17+$0x0], $0xffff;
	[tilespmem:s29+$0x0] =	vst v4  }
0x96: {  	v4 =	vpack.i.f32.bf16 v27, v23;
	v12 =	vld.idx.msk [tilespmem:v17+s17+$0x0], $0xffff;
	[tilespmem:s29+$0x10] =	vst v3  }
0x97: {  	v6 =	vpack.i.f32.bf16 v30, v2;
	v3 =	vld.idx.msk [tilespmem:v20+s17+$0x0], $0xffff;
	[tilespmem:s29+$0x20] =	vst v4  }
0x98: {  	v2 =	vmov v9;
	v5 =	vld.idx.msk [tilespmem:v21+s17+$0x0], $0xffff;
	[tilespmem:s29+$0xFFFFFFC0] =	vst v6  }
.Ltmp7:
0x99: {  	v4 =	vld.idx.msk [tilespmem:v24+s17+$0x0], $0xffff;
	(pc) =	sbr.rel @p0 .LBB2_7-.Ltmp7, $4  }
0x9a: {  	s29 =	sadd.s32 $0x80, s29;
	v9 =	vpack.i.f32.bf16 v8, v15;
	v6 =	vld.idx.msk [tilespmem:v25+s17+$0x0], $0xffff  }
0x9b: {  	v8 =	vld.idx.msk [tilespmem:v26+s17+$0x0], $0xffff;
	[tilespmem:s29+$0x30] =	vst v9  }
0x9c: {  	s1 =	sshll.u32 s30, $0x5;
	v12 =	vpack.i.f32.bf16 v12, v10;
	v10 =	vld.idx.msk [tilespmem:v28+s17+$0x0], $0xffff  }
0x9d: {  	s30 =	sadd.s32 $0x8, s30;
	s11 =	sadd.s32 $0x20, s1;
	s0 =	sadd.s32 $0xE0, s1;
	v15 =	vor.u32 s1, v0;
	v9 =	vor.u32 s1, v1;
	[tilespmem:s29+$0xFFFFFFD0] =	vst v12;
	v12 =	vld.idx.msk [tilespmem:v29+s17+$0x0], $0xffff  }
0x9e: {  	_ =	sdelay $0x3  }
0x9f: {  	v16 =	vor.u32 s0, v0;
	v14 =	vld.idx.msk [tilespmem:v14+s17+$0x0], $0xffff  }
0xa0: {  	v17 =	vor.u32 s0, v1;
	v13 =	vld.idx.msk [tilespmem:v13+s17+$0x0], $0xffff  }
0xa1: {  	v18 =	vor.u32 s11, v0;
	v11 =	vld.idx.msk [tilespmem:v11+s17+$0x0], $0xffff  }
0xa2: {  	v19 =	vor.u32 s11, v1;
	s13 =	sadd.s32 $0x40, s1;
	v7 =	vld.idx.msk [tilespmem:v7+s17+$0x0], $0xffff  }
0xa3: {  	v15 =	vld.idx.msk [tilespmem:v15+s17+$0x0], $0xffff;
	v20 =	vor.u32 s13, v0  }
0xa4: {  	s30 =	sadd.s32 $0x60, s1;
	v21 =	vor.u32 s13, v1;
	v16 =	vld.idx.msk [tilespmem:v16+s17+$0x0], $0xffff  }
0xa5: {  	v22 =	vor.u32 s30, v0;
	v17 =	vld.idx.msk [tilespmem:v17+s17+$0x0], $0xffff  }
0xa6: {  	s31 =	sadd.s32 $0x80, s1;
	v23 =	vor.u32 s30, v1;
	v18 =	vld.idx.msk [tilespmem:v18+s17+$0x0], $0xffff  }
0xa7: {  	v24 =	vor.u32 s31, v0;
	v19 =	vld.idx.msk [tilespmem:v19+s17+$0x0], $0xffff  }
0xa8: {  	s12 =	sadd.s32 $0xA0, s1;
	v25 =	vor.u32 s31, v1;
	v20 =	vld.idx.msk [tilespmem:v20+s17+$0x0], $0xffff  }
0xa9: {  	v26 =	vor.u32 s12, v0;
	v21 =	vld.idx.msk [tilespmem:v21+s17+$0x0], $0xffff  }
0xaa: {  	v3 =	vpack.i.f32.bf16 v5, v3;
	s13 =	sadd.s32 $0xC0, s1;
	v27 =	vor.u32 s12, v1;
	v52 =	vld.idx.msk [tilespmem:v22+s17+$0x0], $0xffff  }
0xab: {  	[tilespmem:s29+$0xFFFFFFE0] =	vst v3;
	v3 =	vpack.i.f32.bf16 v6, v4;
	v53 =	vor.u32 s13, v0;
	v54 =	vld.idx.msk [tilespmem:v23+s17+$0x0], $0xffff  }
0xac: {  	v55 =	vor.u32 s13, v1;
	[tilespmem:s29+$0xFFFFFFF0] =	vst v3;
	v8 =	vpack.i.f32.bf16 v10, v8;
	v3 =	vld.idx.msk [tilespmem:v24+s17+$0x0], $0xffff  }
0xad: {  	[tilespmem:s29+$0x0] =	vst v8;
	v56 =	vpack.i.f32.bf16 v14, v12;
	v57 =	vld.idx.msk [tilespmem:v25+s17+$0x0], $0xffff  }
0xae: {  	v58 =	vpack.i.f32.bf16 v11, v13;
	[tilespmem:s29+$0x10] =	vst v56;
	v59 =	vld.idx.msk [tilespmem:v26+s17+$0x0], $0xffff  }
0xaf: {  	v2 =	vpack.i.f32.bf16 v7, v2;
	[tilespmem:s29+$0x20] =	vst v58;
	v60 =	vld.idx.msk [tilespmem:v27+s17+$0x0], $0xffff  }
0xb0: {  	[tilespmem:s29+$0xFFFFFFC0] =	vst v2;
	s29 =	sadd.s32 $0x80, s29;
	v61 =	vld.idx.msk [tilespmem:v53+s17+$0x0], $0xffff;
	v2 =	vpack.i.f32.bf16 v17, v16  }
0xb1: {  	v6 =	vld.idx.msk [tilespmem:v55+s17+$0x0], $0xffff;
	[tilespmem:s29+$0x30] =	vst v2;
	v2 =	vpack.i.f32.bf16 v19, v18  }
0xb2: {  	v62 =	vpack.i.f32.bf16 v21, v20;
	[tilespmem:s29+$0xFFFFFFD0] =	vst v2;
	v2 =	vld.idx.msk [tilespmem:v9+s17+$0x0], $0xffff  }
0xb3: {  	v4 =	vpack.i.f32.bf16 v54, v52;
	[tilespmem:s29+$0xFFFFFFE0] =	vst v62  }
0xb4: {  	v3 =	vpack.i.f32.bf16 v57, v3;
	[tilespmem:s29+$0xFFFFFFF0] =	vst v4  }
.Ltmp8:
0xb5: {  	s30 =	sshll.u32 s28, $0xE;
	v63 =	vpack.i.f32.bf16 v60, v59;
	[tilespmem:s29+$0x0] =	vst v3;
	(pc) =	sbr.rel .LBB2_9-.Ltmp8, $4  }
0xb6: {  	s1 =	sadd.s32 s6, s30;
	[tilespmem:s29+$0x10] =	vst v63;
	v3 =	vpack.i.f32.bf16 v6, v61  }
0xb7: {  	s1 =	sshrl.u32 s1, $0x4;
	[tilespmem:s29+$0x20] =	vst v3;
	v2 =	vpack.i.f32.bf16 v2, v15  }
0xb8: {  	s31 =	sadd.s32 s4, s1;
	[tilespmem:s29+$0xFFFFFFC0] =	vst v2  }
0xb9: {  	[hbm4b:s31+s2] =	stream.linear.scatter [tilespmem:s18], [sflag:$0x4], $0x2000, $0x38;
	[tilespmem:$0x12400] =	vst v63  }
.LBB2_11:
0xba: {  	_ =	sfence.sel $0x180000  }
0xbb: {  	[bflag:$0x0] =	sbarrier.arrive $0xFFFF  }
0xbc: {  	_ =	strace $0x90000047  }
0xbd: {  	s0 =	stileid.u32;
	[bflag:$0x2] =	sbarrier.arrive $0xFFFF  }
0xbe: {  	p0 =	sne.s32 s0, $0x0;
	s0 =	rddreg [dreg:$0x2]  }
0xbf: {  	s0 =	sadd.s32 @!p0 $0x100000, s0  }
0xc0: {  	[sflag:s0] =	ssyncadd.tile.s32 @!p0 $0x1;
	_ =	shalt  }
.Lfunc_end2:
_tile_overlayer_lowered:
.L_overlay_start_2:
0xc1: {  	(tag) =	ssettag $0x2  }
0xc2: {  	s0 =	rddreg [dreg:$0x0];
	s2 =	stileid.u32  }
0xc3: {  	s1 =	rddreg [dreg:$0x1];
	p0 =	sne.s32 s2, $0x0  }
0xc4: {  	s3 =	rddreg [dreg:$0x2];
	[bflag:$0x3] =	sbarrier.arrive $0xFFFF;
	s2 =	simm.s32 @!p0 $0x1C05  }
0xc5: {  	[timem:s3], [sflag:s2] =	dma.local @!p0 [hbm:s0], s1  }
0xc6: {  	s0 =	simm.s32 @!p0 $0x5  }
0xc7: {  	_ =	swait.ge @!p0 [sflag:s0], s1  }
0xc8: {  	s1 =	ssub.s32 @!p0 $0x0, s1;
	[sflag:s0] =	ssyncset.done @!p0 $0x0  }
0xc9: {  	[sflag:s0] =	ssyncadd.s32 @!p0 s1  }
0xca: {  	[bflag:$0x3] =	sbarrier.arrive $0xFFFF  }
0xcb: {  	_ =	shalt  }

// kernel: sparse-core-data-format-call.1.cloned.1.call-start
scs
called_computation.1_lowered:
.L_overlay_start_0:
0x0: {  	s2 =	sld [smem:$0x3FD9]  }
0x1: {  	s3 =	sld [smem:$0x3FFE];
	_ =	sdelay $0x1  }
0x2: {  	s1 =	srdreg.scid  }
0x3: {  	s0 =	sand.u32 $0x1, s1  }
0x4: {  	s18 =	sshll.u32 s0, $0xA;
	s2 =	sadd.s32 s3, s2  }
0x5: {  	s2 =	sadd.s32 s2, s18  }
0x6: {  	[smem:$0x3FC6] =	sst s2  }
0x7: {  	_ = 	snop  }
0x8: {  	s2 =	sld [smem:$0x3FD0];
	(tm) =	ssettm $0x1  }
0x9: {  	s19 =	sld [smem:$0x3FFB];
	_ =	sdelay $0x3  }
0xa: {  	_ =	strace s19  }
0xb: {  	s3 =	sld [smem:$0x3FFC];
	_ =	sdelay $0x3  }
0xc: {  	_ =	strace s3  }
0xd: {  	s3 =	sld [smem:$0x3FFD];
	_ =	sdelay $0x3  }
0xe: {  	_ =	strace s3  }
0xf: {  	_ =	strace $0x8FFFFFFF  }
0x10: {  	s20 =	sld [smem:$0x3FDB];
	_ =	sdelay $0x1  }
0x11: {  	s4 =	simm.s32 $_scs_section_size  }
0x12: {  	s5 =	simm.s32 $_size__tile_overlayer_lowered;
	s6 =	simm.s32 $_tile_overlayer_lowered  }
0x13: {  	s23 =	simm.s32 $0x1BFF;
	s22 =	sshll.u32 s6, $0x1;
	s3 =	sadd.s32 s4, s20  }
0x14: {  	s7 =	simm.s32 $0x0;
	s21 =	sshll.u32 s5, $0x1;
	s5 =	sadd.s32 s22, s3  }
0x15: {  	[timem:s7], [sflag:s23] =	dma.local [hbm:s5], s21  }
0x16: {  	_ =	swait.ge [sflag:s23], s21  }
0x17: {  	s4 =	ssub.s32 $0x0, s21;
	[sflag:s23] =	ssyncset.done $0x0  }
0x18: {  	[sflag:s23] =	ssyncadd.s32 s4;
	_ =	sdelay $0x1  }
0x19: {  	s24 =	simm.s32 $0x1B8B  }
0x1a: {  	_ =	swait.ge [sflag:s24], $0x1  }
0x1b: {  	[sflag:s24] =	ssyncset.done $0x0  }
0x1c: {  	s26 =	simm.s32 $0x1B8E;
	s25 =	sld [smem:$0x3FFE];
	[sflag:s24] =	ssyncadd.s32 $0xFFFFFFFF  }
0x1d: {  	s27 =	simm.s32 $execute0_lowered;
	[smem:$0x3FD2] =	sst s26  }
0x1e: {  	s5 =	sshll.u32 s27, $0x1;
	_ =	strace $0x80000049;
	[dreg:$0x1] =	wrdreg $0xFFFFFFFF  }
0x1f: {  	s28 =	simm.s32 $_size_execute0_lowered;
	s3 =	sadd.s32 s3, s5;
	[dreg:$0x0] =	wrdreg $0x0  }
0x20: {  	s5 =	sshll.u32 s28, $0x1;
	[dreg:$0x2] =	wrdreg s3  }
0x21: {  	[dreg:$0x3] =	wrdreg s5  }
0x22: {  	[dreg:$0x4] =	wrdreg $0xC0  }
0x23: {  	_ =	task [dreg:s7], $0x5FFFF  }
0x24: {  	[dreg:$0x1] =	wrdreg $0xFFFFFFFF  }
0x25: {  	[dreg:$0x0] =	wrdreg $0x60  }
0x26: {  	[dreg:$0x2] =	wrdreg s25  }
0x27: {  	[dreg:$0x3] =	wrdreg s2  }
0x28: {  	[dreg:$0x4] =	wrdreg $0x9  }
0x29: {  	_ =	task.clear_ibuf [dreg:s7], $0x5FFFF;
	_ =	strace $0x90000049  }
0x2a: {  	s29 =	simm.s32 $0x9;
	_ =	strace $0x8000004B  }
0x2b: {  	_ =	swait.ge [sflag:s29], $0x1  }
0x2c: {  	[sflag:s29] =	ssyncadd.s32 $0xFFFFFFFF  }
0x2d: {  	_ =	strace $0x9000004B  }
0x2e: {  	_ =	sfence  }
0x2f: {  	s30 =	sld [smem:$0x0];
	_ =	sdelay $0x2  }
0x30: {  	s31 =	sshll.u32 s1, $0xD;
	s1 =	sshrl.u32 s1, $0x2  }
0x31: {  	s3 =	sand.u32 $0x4000, s31;
	s1 =	sadd.s32 s1, s30  }
0x32: {  	s0 =	sor.u32 s3, s0;
	s1 =	sshll.u32 s1, $0x11  }
0x33: {  	s0 =	sor.u32 s1, s0  }
0x34: {  	s0 =	sadd.s32 $0x8F2B, s0  }
0x35: {  	[sflag:s0] =	ssyncadd.remote.s32 $0x1  }
0x36: {  	_ =	sfence.sel $0xFFFF  }
0x37: {  	[dreg:$0x0] =	wrdreg $0xFFFFFFFF;
	(pc) =	sbr.abs _section_cstart, $3  }
0x38: {  	[dreg:$0x1] =	wrdreg $0xFFFFFFFF  }
0x39: {  	_ =	task.clear_ibuf [dreg:s7], $0x2FFFF;
	_ =	strace $0x9FFFFFFF  }
0x3a: {  	(tm) =	ssettm $0x7FFFFFFF  }
0x3b: {  	_ =	shalt  }
tec
execute0_lowered:
.L_overlay_start_1:
0x0: {  	(tag) =	ssettag $0x1  }
0x1: {  	s0 =	srdreg.scid  }
0x2: {  	s1 =	sshll.u32 s0, $0x4  }
0x3: {  	s4 =	rddreg [dreg:$0x0];
	s0 =	stileid.u32;
	s1 =	sand.u32 $0x10, s1  }
0x4: {  	s2 =	rddreg [dreg:$0x1];
	s7 =	simm.s32 $0x1;
	s1 =	sor.u32 s0, s1  }
0x5: {  	s8 =	simm.s32 $0x2;
	s11 =	simm.s32 $0x0;
	s3 =	sshll.u32 s1, $0x7  }
0x6: {  	s10 =	simm.s32 $0x0;
	s4 =	sadd.s32 $0x190E00, s4;
	s6 =	ssub.s32 $0xC8000, s3  }
.Ltmp0:
0x7: {  	s1 =	rddreg [dreg:$0x2];
	s5 =	sand.u32 $0xF80, s6;
	(pc) =	sbr.rel .LBB1_1-.Ltmp0, $4  }
0x8: {  	_ =	strace $0x8000004A;
	s9 =	smov.u32 s3;
	p0 =	sne.s32 s5, $0x0  }
0x9: {  	s6 =	sshrl.u32 s6, $0xC;
	s5 =	simm.s32 $0x1;
	s7 =	simm.s32 @!p0 $0x0  }
0xa: {  	[sflag:s5] =	ssyncpa.u1 $0x0;
	p0 =	por $0x0, $0x0;
	s6 =	sadd.s32 s7, s6  }
0xb: {  	[sflag:s8] =	ssyncpa.u1 $0x0;
	s8 =	simm.s32 $0x320000;
	s7 =	sadd.s32 $0x1, s6  }
.LBB1_4:
0xc: {  	s15 =	sshll.u32 s11, $0x3;
	s28 =	sshll.u32 s11, $0x1  }
0xd: {  	s16 =	sand.u32 $0xFFFFFC00, s15;
	s11 =	sand.u32 $0xFE, s28  }
0xe: {  	s11 =	sor.u32 s11, s16  }
0xf: {  	s16 =	smulhi.u32 $0x51EB851F, s11;
	_ =	sdelay $0x1  }
0x10: {  	s15 =	smulhi.u32 $0x51EB851F, s15;
	s16 =	sshrl.u32 s16, $0x12  }
0x11: {  	s13 =	sadd.s32 $0x4, s13;
	s16 =	smul.u32 $0xC8000, s16  }
0x12: {  	v1 =	vperm.xlane.i2c.b16 v1;
	v0 =	vperm.xlane.i2c.b16 v0;
	s29 =	sand.u32 $0x7C, s13;
	s13 =	sand.u32 $0x80, s13;
	s15 =	sshrl.u32 s15, $0x12  }
0x13: {  	s15 =	sand.u32 $0x1F, s15;
	s11 =	ssub.s32 s11, s16;
	s16 =	sshrl.u32 s29, $0x1  }
0x14: {  	v3 =	vcombine.low v0, v1;
	s13 =	sshrl.u32 s13, $0x1;
	s15 =	smul.u32 $0xC800, s15;
	s16 =	sadd.s32 s16, s12  }
0x15: {  	[tilespmem:s14+$0x1 ss:$0x81] =	vst.msk $0xffff, v2;
	v0 =	vcombine.high v0, v1;
	s30 =	sshll.u32 s11, $0x11;
	s13 =	sadd.s32 s13, s16  }
0x16: {  	s15 =	sadd.s32 s2, s15;
	s11 =	sshrl.u32 s11, $0x4;
	s14 =	sand.u32 $0x1C0000, s30;
	[tilespmem:s13+$0x0 ss:$0x81] =	vst.msk $0xffff, v3  }
0x17: {  	s11 =	sadd.s32 s11, s15;
	s31 =	sor.u32 $0x200, s14;
	[tilespmem:s13+$0x1 ss:$0x81] =	vst.msk $0xffff, v0  }
0x18: {  	[hbm4b:s11+s31] =	stream.strided.scatter [tilespmem:s12], [sflag:$0x2], $0x800, s8, s31, $0x20;
	[tilespmem:$0x2020] =	vst v63  }
.LBB1_5:
0x19: {  	s13 =	sadd.s32 $0x1000, s9  }
0x1a: {  	p2 =	sgt.s32 s13, $0xC7FFF  }
0x1b: {  	s13 =	smov.u32 @p2 s3;
	p2 =	sne.s32 s10, s7  }
.Ltmp1:
0x1c: {  	p1 =	slt.u32 s10, $0x2;
	(pc) =	sbr.rel @!p2 .LBB1_6-.Ltmp1, $4  }
0x1d: {  	s12 =	simm.s32 @!p1 $0x2  }
0x1e: {  	s14 =	sadd.s32 $0x1, s10;
	_ =	swait.ge @!p1 [sflag:s12], $0x800  }
0x1f: {  	s11 =	smov.u32 s9;
	p0 =	por !p0, !p0;
	[sflag:s12] =	ssyncset.done @!p1 $0x0  }
0x20: {  	s10 =	smov.u32 s14;
	s9 =	smov.u32 s13;
	[sflag:s12] =	ssyncadd.s32 @!p1 $0xFFFFF800  }
.LBB1_1:
0x21: {  	p1 =	sge.u32 s10, s6  }
0x22: {  	s12 =	sand.u32 @!p1 $0x1FFFFFE, s9  }
0x23: {  	s13 =	smulhi.u32 @!p1 $0x147AE15, s12;
	_ =	sdelay $0x1  }
0x24: {  	s13 =	sshrl.u32 @!p1 s13, $0xC  }
0x25: {  	s13 =	smul.u32 @!p1 $0xC8000, s13;
	_ =	sdelay $0x1  }
0x26: {  	s31 =	sadd.s32 $0xFFFFFFFF, s10;
	s12 =	ssub.s32 @!p1 s12, s13;
	s13 =	sxor.u32 @!p1 $0xFFFFFFFF, s10  }
0x27: {  	s14 =	simm.s32 @!p1 $0x20;
	s12 =	sshll.u32 @!p1 s12, $0x3;
	s13 =	sshll.u32 @!p1 s13, $0xB  }
0x28: {  	s15 =	simm.s32 @!p1 $0x80;
	s12 =	sadd.s32 @!p1 s4, s12;
	s13 =	sand.u32 @!p1 $0x800, s13  }
0x29: {  	[tilespmem:s13], [sflag:$0x1] =	stream.strided.gather @!p1 [hbm4b:s12+s14], $0x800, s15, s14, $0x38;
	[tilespmem:$0x2020] =	vst v63  }
0x2a: {  	p1 =	sge.u32 s31, s6  }
.Ltmp2:
0x2b: {  	_ = 	snop;
	(pc) =	sbr.rel @p1 .LBB1_5-.Ltmp2, $1  }
0x2c: {  	_ =	sdelay $0x3  }
0x2d: {  	s12 =	simm.s32 $0x1  }
0x2e: {  	_ =	swait.ge [sflag:s5], $0x800;
	s12 =	simm.s32 @!p0 $0x0  }
0x2f: {  	[sflag:s5] =	ssyncset.done $0x0;
	s12 =	sshll.u32 s12, $0xB  }
0x30: {  	[sflag:s5] =	ssyncadd.s32 $0xFFFFF800;
	s14 =	sor.u32 $0x10, s12  }
0x31: {  	v0 =	vld [tilespmem:s14+$0xFFFFFFF0]  }
0x32: {  	v1 =	vld [tilespmem:s14+$0x0];
	_ =	sdelay $0x1  }
0x33: {  	s30 =	sand.u32 $0x1, s10  }
0x34: {  	s13 =	simm.s32 $0x0;
	s12 =	smul.u32 $0x2040, s30  }
0x35: {  	s15 =	sand.u32 $0x7C, s13  }
0x36: {  	s17 =	sshrl.u32 s15, $0x1;
	s15 =	sadd.s32 $0x20, s14;
	s12 =	sshrl.u32 s12, $0x2;
	v2 =	vperm.xlane.i2c.b16 v1;
	v3 =	vperm.xlane.i2c.b16 v0  }
0x37: {  	s16 =	sand.u32 $0x80, s13;
	s12 =	sor.u32 $0x1000, s12;
	v0 =	vld [tilespmem:s15+$0xFFFFFFF0]  }
0x38: {  	s16 =	sshrl.u32 s16, $0x1;
	s31 =	sadd.s32 s17, s12;
	v1 =	vld [tilespmem:s15+$0x0];
	v4 =	vcombine.low v3, v2  }
0x39: {  	s14 =	sadd.s32 s16, s31  }
0x3a: {  	s16 =	simm.s32 $0x2;
	v2 =	vcombine.high v3, v2;
	[tilespmem:s14+$0x0 ss:$0x81] =	vst.msk $0xffff, v4  }
.LBB1_3:
0x3b: {  	s16 =	sadd.s32 $0x2, s16  }
0x3c: {  	s15 =	sadd.s32 $0x20, s15;
	[tilespmem:s14+$0x1 ss:$0x81] =	vst.msk $0xffff, v2;
	s13 =	sadd.s32 $0x4, s13;
	p1 =	slt.u32 s16, $0x7E  }
.Ltmp3:
0x3d: {  	v2 =	vperm.xlane.i2c.b16 v1;
	v3 =	vperm.xlane.i2c.b16 v0;
	s14 =	sand.u32 $0x7C, s13;
	v0 =	vld [tilespmem:s15+$0xFFFFFFF0];
	(pc) =	sbr.rel @p1 .LBB1_3-.Ltmp3, $4  }
0x3e: {  	s17 =	sand.u32 $0x80, s13;
	v1 =	vld [tilespmem:s15+$0x0];
	s14 =	sshrl.u32 s14, $0x1  }
0x3f: {  	v4 =	vcombine.low v3, v2;
	s17 =	sshrl.u32 s17, $0x1;
	s14 =	sadd.s32 s14, s12  }
0x40: {  	v2 =	vcombine.high v3, v2;
	s14 =	sadd.s32 s17, s14  }
0x41: {  	[tilespmem:s14+$0x0 ss:$0x81] =	vst.msk $0xffff, v4  }
.Ltmp4:
0x42: {  	_ = 	snop;
	(pc) =	sbr.rel .LBB1_4-.Ltmp4, $1  }
0x43: {  	_ =	sdelay $0x3  }
.LBB1_6:
0x44: {  	_ =	sfence.sel $0x180000  }
0x45: {  	s2 =	simm.s32 $0x1;
	[bflag:$0x0] =	sbarrier.arrive $0xFFFF  }
0x46: {  	s31 =	simm.s32 $0x2;
	[sflag:s2] =	ssyncpa.u1 $0x1  }
0x47: {  	[sflag:s31] =	ssyncpa.u1 $0x1  }
0x48: {  	p0 =	sne.s32 s0, $0x0;
	_ =	strace $0x9000004A  }
0x49: {  	s0 =	sadd.s32 @!p0 $0x100000, s1;
	[bflag:$0x2] =	sbarrier.arrive $0xFFFF  }
0x4a: {  	[sflag:s0] =	ssyncadd.tile.s32 @!p0 $0x1;
	_ =	shalt  }
.Lfunc_end1:
_tile_overlayer_lowered:
.L_overlay_start_2:
0x4b: {  	(tag) =	ssettag $0x2  }
0x4c: {  	s0 =	rddreg [dreg:$0x0];
	s2 =	stileid.u32  }
0x4d: {  	s1 =	rddreg [dreg:$0x1];
	p0 =	sne.s32 s2, $0x0  }
0x4e: {  	s3 =	rddreg [dreg:$0x2];
	[bflag:$0x3] =	sbarrier.arrive $0xFFFF;
	s2 =	simm.s32 @!p0 $0x1C01  }
0x4f: {  	[timem:s3], [sflag:s2] =	dma.local @!p0 [hbm:s0], s1  }
0x50: {  	s0 =	simm.s32 @!p0 $0x1  }
0x51: {  	_ =	swait.ge @!p0 [sflag:s0], s1  }
0x52: {  	s1 =	ssub.s32 @!p0 $0x0, s1;
	[sflag:s0] =	ssyncset.done @!p0 $0x0  }
0x53: {  	[sflag:s0] =	ssyncadd.s32 @!p0 s1  }
0x54: {  	[bflag:$0x3] =	sbarrier.arrive $0xFFFF  }
0x55: {  	_ =	shalt  }

// kernel: sparse-core-data-format-call.cloned.1.call-start
scs
called_computation_lowered:
.L_overlay_start_0:
0x0: {  	s2 =	sld [smem:$0x3FD9]  }
0x1: {  	s3 =	sld [smem:$0x3FFE];
	_ =	sdelay $0x1  }
0x2: {  	s1 =	srdreg.scid  }
0x3: {  	s0 =	sand.u32 $0x1, s1  }
0x4: {  	s18 =	sshll.u32 s0, $0xA;
	s2 =	sadd.s32 s3, s2  }
0x5: {  	s2 =	sadd.s32 s2, s18  }
0x6: {  	[smem:$0x3FC6] =	sst s2  }
0x7: {  	_ = 	snop  }
0x8: {  	s2 =	sld [smem:$0x3FD0];
	(tm) =	ssettm $0x1  }
0x9: {  	s19 =	sld [smem:$0x3FFB];
	_ =	sdelay $0x3  }
0xa: {  	_ =	strace s19  }
0xb: {  	s3 =	sld [smem:$0x3FFC];
	_ =	sdelay $0x3  }
0xc: {  	_ =	strace s3  }
0xd: {  	s3 =	sld [smem:$0x3FFD];
	_ =	sdelay $0x3  }
0xe: {  	_ =	strace s3  }
0xf: {  	_ =	strace $0x8FFFFFFF  }
0x10: {  	s20 =	sld [smem:$0x3FDB];
	_ =	sdelay $0x1  }
0x11: {  	s4 =	simm.s32 $_scs_section_size  }
0x12: {  	s5 =	simm.s32 $_size__tile_overlayer_lowered;
	s6 =	simm.s32 $_tile_overlayer_lowered  }
0x13: {  	s23 =	simm.s32 $0x1BFF;
	s22 =	sshll.u32 s6, $0x1;
	s3 =	sadd.s32 s4, s20  }
0x14: {  	s7 =	simm.s32 $0x0;
	s21 =	sshll.u32 s5, $0x1;
	s5 =	sadd.s32 s22, s3  }
0x15: {  	[timem:s7], [sflag:s23] =	dma.local [hbm:s5], s21  }
0x16: {  	_ =	swait.ge [sflag:s23], s21  }
0x17: {  	s4 =	ssub.s32 $0x0, s21;
	[sflag:s23] =	ssyncset.done $0x0  }
0x18: {  	[sflag:s23] =	ssyncadd.s32 s4;
	_ =	sdelay $0x1  }
0x19: {  	s24 =	simm.s32 $0x1B8B  }
0x1a: {  	_ =	swait.ge [sflag:s24], $0x1  }
0x1b: {  	[sflag:s24] =	ssyncset.done $0x0  }
0x1c: {  	s26 =	simm.s32 $0x1B8E;
	s25 =	sld [smem:$0x3FFE];
	[sflag:s24] =	ssyncadd.s32 $0xFFFFFFFF  }
0x1d: {  	s27 =	simm.s32 $execute0_lowered;
	[smem:$0x3FD2] =	sst s26  }
0x1e: {  	s5 =	sshll.u32 s27, $0x1;
	_ =	strace $0x8000004C;
	[dreg:$0x1] =	wrdreg $0xFFFFFFFF  }
0x1f: {  	s28 =	simm.s32 $_size_execute0_lowered;
	s3 =	sadd.s32 s3, s5;
	[dreg:$0x0] =	wrdreg $0x0  }
0x20: {  	s5 =	sshll.u32 s28, $0x1;
	[dreg:$0x2] =	wrdreg s3  }
0x21: {  	[dreg:$0x3] =	wrdreg s5  }
0x22: {  	[dreg:$0x4] =	wrdreg $0xC0  }
0x23: {  	_ =	task [dreg:s7], $0x5FFFF  }
0x24: {  	[dreg:$0x1] =	wrdreg $0xFFFFFFFF  }
0x25: {  	[dreg:$0x0] =	wrdreg $0x60  }
0x26: {  	[dreg:$0x2] =	wrdreg s25  }
0x27: {  	[dreg:$0x3] =	wrdreg s2  }
0x28: {  	[dreg:$0x4] =	wrdreg $0x9  }
0x29: {  	_ =	task.clear_ibuf [dreg:s7], $0x5FFFF;
	_ =	strace $0x9000004C  }
0x2a: {  	s29 =	simm.s32 $0x9;
	_ =	strace $0x8000004E  }
0x2b: {  	_ =	swait.ge [sflag:s29], $0x1  }
0x2c: {  	[sflag:s29] =	ssyncadd.s32 $0xFFFFFFFF  }
0x2d: {  	_ =	strace $0x9000004E  }
0x2e: {  	_ =	sfence  }
0x2f: {  	s30 =	sld [smem:$0x0];
	_ =	sdelay $0x2  }
0x30: {  	s31 =	sshll.u32 s1, $0xD;
	s1 =	sshrl.u32 s1, $0x2  }
0x31: {  	s3 =	sand.u32 $0x4000, s31;
	s1 =	sadd.s32 s1, s30  }
0x32: {  	s0 =	sor.u32 s3, s0;
	s1 =	sshll.u32 s1, $0x11  }
0x33: {  	s0 =	sor.u32 s1, s0  }
0x34: {  	s0 =	sadd.s32 $0x8F2B, s0  }
0x35: {  	[sflag:s0] =	ssyncadd.remote.s32 $0x1  }
0x36: {  	_ =	sfence.sel $0xFFFF  }
0x37: {  	[dreg:$0x0] =	wrdreg $0xFFFFFFFF;
	(pc) =	sbr.abs _section_cstart, $3  }
0x38: {  	[dreg:$0x1] =	wrdreg $0xFFFFFFFF  }
0x39: {  	_ =	task.clear_ibuf [dreg:s7], $0x2FFFF;
	_ =	strace $0x9FFFFFFF  }
0x3a: {  	(tm) =	ssettm $0x7FFFFFFF  }
0x3b: {  	_ =	shalt  }
tec
execute0_lowered:
.L_overlay_start_1:
0x0: {  	(tag) =	ssettag $0x1  }
0x1: {  	s10 =	rddreg [dreg:$0x0]  }
0x2: {  	s2 =	rddreg [dreg:$0x1]  }
0x3: {  	s0 =	stileid.u32;
	s1 =	srdreg.scid  }
0x4: {  	s31 =	simm.s32 $0x2;
	s18 =	simm.s32 $0x0;
	s12 =	simm.s32 $0x40000  }
0x5: {  	s19 =	simm.s32 $0x0;
	s13 =	simm.s32 $0x0;
	s14 =	simm.s32 $0x0  }
0x6: {  	s17 =	simm.s32 $0x0;
	s3 =	sshll.u32 s0, $0x2;
	s4 =	sshll.u32 s0, $0x4  }
0x7: {  	s5 =	sshll.u32 s1, $0x8;
	s1 =	rddreg [dreg:$0x2];
	_ =	strace $0x8000004D  }
0x8: {  	s3 =	sand.u32 $0x1C, s3;
	s4 =	sor.u32 s4, s5;
	s5 =	sadd.s32 $0xE00, s10  }
0x9: {  	s4 =	sand.u32 $0x180, s4;
	s6 =	ssub.s32 $0x20, s3;
	s16 =	smov.u32 s3  }
0xa: {  	s7 =	sand.u32 $0x1C, s6;
	s8 =	ssub.s32 $0x4000, s4;
	s11 =	sshrl.u32 s6, $0x5  }
0xb: {  	p0 =	sne.s32 s7, $0x0;
	s7 =	simm.s32 $0x1;
	s9 =	sand.u32 $0x180, s8  }
0xc: {  	s7 =	simm.s32 @!p0 $0x0;
	p0 =	sne.s32 s9, $0x0;
	s9 =	simm.s32 $0x1  }
.Ltmp0:
0xd: {  	s8 =	sshrl.u32 s8, $0x9;
	s9 =	simm.s32 @!p0 $0x0;
	(pc) =	sbr.rel .LBB1_1-.Ltmp0, $4  }
0xe: {  	s6 =	simm.s32 $0x1;
	s7 =	sadd.s32 s7, s11;
	s8 =	sadd.s32 s9, s8  }
0xf: {  	s15 =	smov.u32 s4;
	[sflag:s6] =	ssyncpa.u1 $0x0;
	s7 =	smul.u32 s7, s8  }
0x10: {  	[sflag:s31] =	ssyncpa.u1 $0x0;
	p0 =	por $0x0, $0x0;
	s9 =	sadd.s32 $0x40E00, s10  }
0x11: {  	s8 =	sadd.s32 $0x20E00, s10;
	s10 =	sadd.s32 $0x60E00, s10;
	s11 =	sadd.s32 $0x1, s7  }
.LBB1_7:
0x12: {  	p1 =	slt.u32 s17, $0x2  }
0x13: {  	s21 =	smov.u32 s19;
	p2 =	sgt.s32 @!p1 s19, $0x1C;
	s20 =	sshra.s32 @!p1 s19, $0x1F  }
0x14: {  	p3 =	sgt.s32 @!p1 s18, $0x3F80;
	s22 =	sshra.s32 @!p1 s18, $0x1F;
	p2 =	por !p2, p1  }
0x15: {  	s19 =	sand.u32 @!p1 s20, s19;
	p3 =	por !p3, p1;
	s20 =	smov.u32 s18  }
0x16: {  	s18 =	sand.u32 @!p1 s22, s18;
	s21 =	simm.s32 @p2 $0x1C;
	s20 =	simm.s32 @p3 $0x3F80  }
0x17: {  	s22 =	smov.u32 s16;
	s19 =	ssub.s32 @!p1 s21, s19;
	s18 =	ssub.s32 @!p1 s20, s18  }
0x18: {  	s20 =	sadd.s32 @!p1 $0xFFFFFFE4, s19;
	s19 =	ssub.s32 @!p1 $0x20, s19;
	s21 =	sadd.s32 @!p1 $0xFFFFC080, s18  }
0x19: {  	p2 =	sgt.s32 @!p1 s20, $0x3;
	s19 =	smul.u32 @!p1 $0x32, s19;
	p3 =	sgt.s32 @!p1 s21, $0x7F  }
0x1a: {  	s18 =	ssub.s32 @!p1 $0x4000, s18;
	p2 =	por !p2, p1;
	p3 =	por !p3, p1  }
0x1b: {  	s20 =	sadd.s32 $0x200, s15;
	s19 =	simm.s32 @!p2 $0x0;
	s18 =	simm.s32 @!p3 $0x0  }
0x1c: {  	p2 =	sgt.s32 s20, $0x3FFF;
	s18 =	smul.u32 @!p1 s18, s19;
	s19 =	sadd.s32 $0x20, s16  }
0x1d: {  	s22 =	smov.u32 @p2 s19  }
0x1e: {  	s20 =	smov.u32 @p2 s4;
	p2 =	sgt.s32 s22, $0x1F  }
0x1f: {  	p0 =	por !p0, !p0;
	s22 =	smov.u32 @p2 s3;
	p2 =	sne.s32 s17, s11  }
.Ltmp1:
0x20: {  	s21 =	simm.s32 @!p1 $0x2;
	s18 =	sshrl.u32 @!p1 s18, $0x1;
	(pc) =	sbr.rel @!p2 .LBB1_8-.Ltmp1, $4  }
0x21: {  	s19 =	smov.u32 s14;
	s14 =	smov.u32 s16;
	s18 =	sand.u32 @!p1 $0x3FFFFFFF, s18  }
0x22: {  	s17 =	sadd.s32 $0x1, s17;
	_ =	swait.ge @!p1 [sflag:s21], s18;
	s23 =	ssub.s32 @!p1 $0x0, s18  }
0x23: {  	s18 =	smov.u32 s13;
	s13 =	smov.u32 s15;
	[sflag:s21] =	ssyncset.done @!p1 $0x0  }
0x24: {  	s15 =	smov.u32 s20;
	s16 =	smov.u32 s22;
	[sflag:s21] =	ssyncadd.s32 @!p1 s23  }
.LBB1_1:
0x25: {  	p1 =	sge.u32 s17, s7  }
0x26: {  	s20 =	sshll.u32 @!p1 s16, $0x11  }
0x27: {  	s21 =	sshll.u32 @!p1 s15, $0x3;
	s22 =	sxor.u32 @!p1 $0xFFFFFFFF, s17;
	s24 =	simm.s32 @!p1 $0x40  }
0x28: {  	s21 =	sand.u32 @!p1 $0x1FFF0, s21;
	s23 =	sadd.s32 @!p1 s5, s20;
	s22 =	sshll.u32 @!p1 s22, $0xE  }
0x29: {  	s25 =	simm.s32 @!p1 $0x80;
	s23 =	sadd.s32 @!p1 s21, s23;
	s22 =	sand.u32 @!p1 $0x4000, s22  }
0x2a: {  	[tilespmem:s22], [sflag:$0x1] =	stream.strided.gather @!p1 [hbm4b:s23+s24], $0x1000, s25, s24, $0x38;
	[tilespmem:$0x10100] =	vst v63  }
0x2b: {  	s23 =	sadd.s32 @!p1 s20, s8  }
0x2c: {  	s26 =	sor.u32 @!p1 $0x1000, s22;
	s23 =	sadd.s32 @!p1 s21, s23  }
0x2d: {  	[tilespmem:s26], [sflag:$0x1] =	stream.strided.gather @!p1 [hbm4b:s23+s24], $0x1000, s25, s24, $0x38;
	[tilespmem:$0x10100] =	vst v63  }
0x2e: {  	s23 =	sadd.s32 @!p1 s20, s9  }
0x2f: {  	s26 =	sor.u32 @!p1 $0x2000, s22;
	s20 =	sadd.s32 @!p1 s20, s10;
	s23 =	sadd.s32 @!p1 s21, s23  }
0x30: {  	[tilespmem:s26], [sflag:$0x1] =	stream.strided.gather @!p1 [hbm4b:s23+s24], $0x1000, s25, s24, $0x38;
	[tilespmem:$0x10100] =	vst v63  }
0x31: {  	s31 =	sadd.s32 $0xFFFFFFFF, s17;
	s20 =	sadd.s32 @!p1 s21, s20;
	s21 =	sor.u32 @!p1 $0x3000, s22  }
0x32: {  	[tilespmem:s21], [sflag:$0x1] =	stream.strided.gather @!p1 [hbm4b:s20+s24], $0x1000, s25, s24, $0x38;
	[tilespmem:$0x10100] =	vst v63  }
0x33: {  	p1 =	sge.u32 s31, s7  }
.Ltmp2:
0x34: {  	_ = 	snop;
	(pc) =	sbr.rel @p1 .LBB1_7-.Ltmp2, $1  }
0x35: {  	_ =	sdelay $0x3  }
0x36: {  	s20 =	simm.s32 $0x1;
	s22 =	sand.u32 $0x1, s17  }
0x37: {  	_ =	swait.ge [sflag:s6], $0x4000;
	s20 =	simm.s32 @!p0 $0x0;
	s22 =	smul.u32 $0x10200, s22  }
0x38: {  	p2 =	por $0x1, $0x1;
	[sflag:s6] =	ssyncset.done $0x0;
	s21 =	smul.u32 $0x10200, s20  }
0x39: {  	s23 =	sshll.u32 s20, $0x10;
	[sflag:s6] =	ssyncadd.s32 $0xFFFFC000;
	s30 =	sshrl.u32 s22, $0x2  }
0x3a: {  	s31 =	sshrl.u32 s23, $0x2;
	s23 =	simm.s32 $0x0;
	s21 =	sshrl.u32 s21, $0x2  }
0x3b: {  	s20 =	sor.u32 $0x8000, s30;
	s22 =	sadd.s32 $0x1000, s31;
	s21 =	sadd.s32 $0xA040, s21  }
.LBB1_3:
0x3c: {  	s24 =	sshll.u32 s23, $0xC  }
0x3d: {  	s24 =	sand.u32 $0x3FFFF000, s24  }
0x3e: {  	s24 =	sadd.s32 s24, s22  }
0x3f: {  	v0 =	vld [tilespmem:s24+$0xFFFFF030]  }
0x40: {  	v1 =	vld [tilespmem:s24+$0x30]  }
0x41: {  	v2 =	vld [tilespmem:s24+$0x0]  }
0x42: {  	v3 =	vld [tilespmem:s24+$0xFFFFF010]  }
0x43: {  	v4 =	vld [tilespmem:s24+$0x10]  }
0x44: {  	v5 =	vld [tilespmem:s24+$0xFFFFF020]  }
0x45: {  	v6 =	vld [tilespmem:s24+$0x20]  }
0x46: {  	v9 =	vld [tilespmem:s24+$0xFFFFF000];
	s24 =	sadd.s32 $0x40, s24  }
0x47: {  	s31 =	smul.u32 $0x102, s23;
	v12 =	vld [tilespmem:s24+$0x30];
	v7 =	vunpack.i.l.s16.s32 v0;
	v8 =	vunpack.i.l.s16.s32 v1  }
0x48: {  	v0 =	vunpack.i.u.s16.s32 v0;
	v1 =	vunpack.i.u.s16.s32 v1;
	v10 =	vunpack.i.u.s16.s32 v2  }
0x49: {  	s23 =	sshra.s32 s31, $0x2;
	v11 =	vunpack.i.l.s16.s32 v2;
	v13 =	vunpack.i.u.s16.s32 v3;
	v3 =	vunpack.i.l.s16.s32 v3  }
0x4a: {  	s23 =	sadd.s32 s23, s21;
	v14 =	vunpack.i.u.s16.s32 v4;
	v4 =	vunpack.i.l.s16.s32 v4;
	v7 =	vpack.i.b32.b16 v8, v7;
	v8 =	vld [tilespmem:s24+$0xFFFFF030]  }
0x4b: {  	v2 =	vld [tilespmem:s24+$0xFFFFF010];
	v15 =	vunpack.i.u.s16.s32 v6;
	v1 =	vpack.i.b32.b16 v1, v0;
	v13 =	vpack.i.b32.b16 v14, v13;
	[tilespmem:s23+$0x1020 ss:$0x102] =	vst.msk $0xffff, v7  }
0x4c: {  	v0 =	vld [tilespmem:s24+$0x0];
	v63 =	vunpack.i.l.s16.s32 v12;
	v7 =	vunpack.i.u.s16.s32 v5;
	[tilespmem:s23+$0x1021 ss:$0x102] =	vst.msk $0xffff, v1;
	v1 =	vpack.i.b32.b16 v4, v3  }
0x4d: {  	v3 =	vunpack.i.l.s16.s32 v6;
	v4 =	vld [tilespmem:s24+$0x10];
	v6 =	vunpack.i.u.s16.s32 v9;
	v9 =	vunpack.i.l.s16.s32 v9;
	[tilespmem:s23+$0xFFFFEFE0 ss:$0x102] =	vst.msk $0xffff, v1  }
0x4e: {  	v5 =	vunpack.i.l.s16.s32 v5;
	v7 =	vpack.i.b32.b16 v15, v7;
	v1 =	vld [tilespmem:s24+$0xFFFFF020];
	v9 =	vpack.i.b32.b16 v11, v9;
	[tilespmem:s23+$0xFFFFEFE1 ss:$0x102] =	vst.msk $0xffff, v13  }
0x4f: {  	p1 =	por p2, p2;
	v11 =	vpack.i.b32.b16 v10, v6;
	v6 =	vpack.i.b32.b16 v3, v5;
	v3 =	vld [tilespmem:s24+$0x20];
	[tilespmem:s23+$0xFFFFDFC0 ss:$0x102] =	vst.msk $0xffff, v9;
	v10 =	vunpack.i.l.s16.s32 v8  }
0x50: {  	s25 =	simm.s32 $0x2;
	s26 =	sadd.s32 $0x40, s24;
	v5 =	vld [tilespmem:s24+$0xFFFFF000];
	s24 =	sadd.s32 $0x2, s23;
	v9 =	vunpack.i.u.s16.s32 v12;
	v8 =	vunpack.i.u.s16.s32 v8;
	[tilespmem:s23+$0xFFFFDFC1 ss:$0x102] =	vst.msk $0xffff, v11;
	v10 =	vpack.i.b32.b16 v63, v10  }
.LBB1_4:
0x51: {  	v11 =	vld [tilespmem:s26+$0xFFFFF030];
	v12 =	vunpack.i.u.s16.s32 v0;
	v13 =	vunpack.i.l.s16.s32 v0;
	[tilespmem:s24+$0x1020 ss:$0x102] =	vst.msk $0xffff, v10;
	v0 =	vpack.i.b32.b16 v9, v8  }
0x52: {  	v8 =	vunpack.i.u.s16.s32 v2;
	v10 =	vunpack.i.l.s16.s32 v2;
	s25 =	sadd.s32 $0x2, s25;
	v9 =	vld [tilespmem:s26+$0x30];
	v14 =	vunpack.i.u.s16.s32 v4;
	[tilespmem:s24+$0x1021 ss:$0x102] =	vst.msk $0xffff, v0  }
0x53: {  	v4 =	vunpack.i.l.s16.s32 v4;
	p2 =	slt.u32 s25, $0x7E;
	v0 =	vld [tilespmem:s26+$0x0];
	v15 =	vunpack.i.u.s16.s32 v1;
	v16 =	vunpack.i.l.s16.s32 v1;
	[tilespmem:s23+$0x0 ss:$0x102] =	vst.msk $0xffff, v6  }
.Ltmp3:
0x54: {  	v1 =	vpack.i.b32.b16 v4, v10;
	v2 =	vld [tilespmem:s26+$0xFFFFF010];
	v10 =	vunpack.i.u.s16.s32 v3;
	v3 =	vunpack.i.l.s16.s32 v3;
	[tilespmem:s23+$0x1 ss:$0x102] =	vst.msk $0xffff, v7;
	s23 =	smov.u32 s24;
	(pc) =	sbr.rel @p2 .LBB1_4-.Ltmp3, $4  }
0x55: {  	v7 =	vpack.i.b32.b16 v14, v8;
	v4 =	vld [tilespmem:s26+$0x10];
	v6 =	vunpack.i.u.s16.s32 v5;
	v5 =	vunpack.i.l.s16.s32 v5;
	[tilespmem:s24+$0xFFFFEFE0 ss:$0x102] =	vst.msk $0xffff, v1  }
0x56: {  	v1 =	vld [tilespmem:s26+$0xFFFFF020];
	v5 =	vpack.i.b32.b16 v13, v5;
	v12 =	vpack.i.b32.b16 v12, v6;
	[tilespmem:s24+$0xFFFFEFE1 ss:$0x102] =	vst.msk $0xffff, v7;
	v6 =	vpack.i.b32.b16 v3, v16  }
0x57: {  	v13 =	vunpack.i.l.s16.s32 v11;
	v7 =	vpack.i.b32.b16 v10, v15;
	v3 =	vld [tilespmem:s26+$0x20];
	v14 =	vunpack.i.l.s16.s32 v9;
	[tilespmem:s24+$0xFFFFDFC0 ss:$0x102] =	vst.msk $0xffff, v5  }
0x58: {  	v8 =	vunpack.i.u.s16.s32 v11;
	v9 =	vunpack.i.u.s16.s32 v9;
	s24 =	sadd.s32 $0x2, s24;
	v5 =	vld [tilespmem:s26+$0xFFFFF000];
	v10 =	vpack.i.b32.b16 v14, v13;
	s26 =	sadd.s32 $0x40, s26;
	[tilespmem:s23+$0xFFFFDFC1 ss:$0x102] =	vst.msk $0xffff, v12  }
0x59: {  	[tilespmem:s24+$0x1020 ss:$0x102] =	vst.msk $0xffff, v10  }
0x5a: {  	v8 =	vpack.i.b32.b16 v9, v8;
	[tilespmem:s23+$0x0 ss:$0x102] =	vst.msk $0xffff, v6  }
0x5b: {  	v49 =	vunpack.i.l.s16.s32 v2;
	[tilespmem:s24+$0x1021 ss:$0x102] =	vst.msk $0xffff, v8;
	v50 =	vunpack.i.l.s16.s32 v4  }
0x5c: {  	v51 =	vunpack.i.u.s16.s32 v2;
	v52 =	vunpack.i.u.s16.s32 v4;
	[tilespmem:s23+$0x1 ss:$0x102] =	vst.msk $0xffff, v7;
	v53 =	vpack.i.b32.b16 v50, v49  }
0x5d: {  	v2 =	vpack.i.b32.b16 v52, v51;
	v59 =	vunpack.i.l.s16.s32 v1;
	[tilespmem:s24+$0xFFFFEFE0 ss:$0x102] =	vst.msk $0xffff, v53;
	v60 =	vunpack.i.l.s16.s32 v3  }
.Ltmp4:
0x5e: {  	v54 =	vunpack.i.l.s16.s32 v0;
	v55 =	vunpack.i.l.s16.s32 v5;
	[tilespmem:s24+$0xFFFFEFE1 ss:$0x102] =	vst.msk $0xffff, v2;
	v2 =	vpack.i.b32.b16 v60, v59;
	(pc) =	sbr.rel @p1 .LBB1_3-.Ltmp4, $4  }
0x5f: {  	v61 =	vunpack.i.u.s16.s32 v1;
	v62 =	vunpack.i.u.s16.s32 v3;
	v58 =	vpack.i.b32.b16 v54, v55;
	[tilespmem:s24+$0x0 ss:$0x102] =	vst.msk $0xffff, v2  }
0x60: {  	v56 =	vunpack.i.u.s16.s32 v0;
	v57 =	vunpack.i.u.s16.s32 v5;
	v63 =	vpack.i.b32.b16 v62, v61;
	[tilespmem:s24+$0xFFFFDFC0 ss:$0x102] =	vst.msk $0xffff, v58  }
0x61: {  	v0 =	vpack.i.b32.b16 v56, v57;
	[tilespmem:s24+$0x1 ss:$0x102] =	vst.msk $0xffff, v63  }
0x62: {  	p2 =	por $0x0, $0x0;
	s23 =	simm.s32 $0x2;
	[tilespmem:s24+$0xFFFFDFC1 ss:$0x102] =	vst.msk $0xffff, v0  }
0x63: {  	s21 =	sshll.u32 s14, $0xE;
	s22 =	sshll.u32 s13, $0x3  }
0x64: {  	p1 =	sgt.s32 s14, $0x1C;
	s23 =	smov.u32 s14;
	s24 =	sshra.s32 s14, $0x1F  }
0x65: {  	s25 =	sshra.s32 s13, $0x1F;
	s27 =	sshll.u32 s14, $0x7;
	s29 =	sshll.u32 s13, $0x1  }
0x66: {  	s21 =	sand.u32 $0x60000, s21;
	s23 =	simm.s32 @!p1 $0x1C;
	s24 =	sand.u32 s24, s14  }
0x67: {  	p1 =	sgt.s32 s13, $0x3F80;
	s23 =	ssub.s32 s23, s24;
	s24 =	smov.u32 s13  }
0x68: {  	s25 =	sand.u32 s25, s13;
	s26 =	ssub.s32 $0x20, s23;
	s24 =	simm.s32 @!p1 $0x3F80  }
0x69: {  	s23 =	sadd.s32 $0xFFFFFFE4, s23;
	s26 =	smul.u32 $0x32, s26;
	s24 =	ssub.s32 s24, s25  }
0x6a: {  	s21 =	sadd.s32 s21, s22;
	p1 =	sgt.s32 s23, $0x3;
	s28 =	sadd.s32 $0xFFFFC080, s24  }
0x6b: {  	s24 =	ssub.s32 $0x4000, s24;
	s26 =	simm.s32 @p1 $0x0;
	p1 =	sgt.s32 s28, $0x7F  }
0x6c: {  	s22 =	sand.u32 $0x3C00, s22;
	s25 =	sand.u32 $0x300, s27;
	s24 =	simm.s32 @p1 $0x0  }
0x6d: {  	s23 =	sand.u32 $0xF0, s29;
	s22 =	sor.u32 s25, s22;
	s24 =	smul.u32 s24, s26  }
.Ltmp5:
0x6e: {  	s21 =	sand.u32 $0x7C000, s21;
	s22 =	sor.u32 s23, s22;
	(pc) =	sbr.rel .LBB1_7-.Ltmp5, $4  }
0x6f: {  	s30 =	sand.u32 $0x7, s13;
	s21 =	sor.u32 s21, s22  }
0x70: {  	s22 =	sshll.u32 s30, $0x12;
	s21 =	sshrl.u32 s21, $0x4;
	s31 =	sshrl.u32 s24, $0x1  }
0x71: {  	s22 =	sor.u32 $0x100, s22;
	s21 =	sadd.s32 s2, s21;
	s23 =	sand.u32 $0x3FFFFFFF, s31  }
0x72: {  	[hbm4b:s21+s22] =	stream.strided.scatter [tilespmem:s20], [sflag:$0x2], s23, s12, s22, $0x20;
	[tilespmem:$0x10100] =	vst v63  }
.LBB1_8:
0x73: {  	_ =	sfence.sel $0x180000  }
0x74: {  	s2 =	simm.s32 $0x1;
	[bflag:$0x0] =	sbarrier.arrive $0xFFFF  }
0x75: {  	s31 =	simm.s32 $0x2;
	[sflag:s2] =	ssyncpa.u1 $0x1  }
0x76: {  	[sflag:s31] =	ssyncpa.u1 $0x1  }
0x77: {  	p0 =	sne.s32 s0, $0x0;
	_ =	strace $0x9000004D  }
0x78: {  	s0 =	sadd.s32 @!p0 $0x100000, s1;
	[bflag:$0x2] =	sbarrier.arrive $0xFFFF  }
0x79: {  	[sflag:s0] =	ssyncadd.tile.s32 @!p0 $0x1;
	_ =	shalt  }
.Lfunc_end1:
_tile_overlayer_lowered:
.L_overlay_start_2:
0x7a: {  	(tag) =	ssettag $0x2  }
0x7b: {  	s0 =	rddreg [dreg:$0x0];
	s2 =	stileid.u32  }
0x7c: {  	s1 =	rddreg [dreg:$0x1];
	p0 =	sne.s32 s2, $0x0  }
0x7d: {  	s3 =	rddreg [dreg:$0x2];
	[bflag:$0x3] =	sbarrier.arrive $0xFFFF;
	s2 =	simm.s32 @!p0 $0x1C01  }
0x7e: {  	[timem:s3], [sflag:s2] =	dma.local @!p0 [hbm:s0], s1  }
0x7f: {  	s0 =	simm.s32 @!p0 $0x1  }
0x80: {  	_ =	swait.ge @!p0 [sflag:s0], s1  }
0x81: {  	s1 =	ssub.s32 @!p0 $0x0, s1;
	[sflag:s0] =	ssyncset.done @!p0 $0x0  }
0x82: {  	[sflag:s0] =	ssyncadd.s32 @!p0 s1  }
0x83: {  	[bflag:$0x3] =	sbarrier.arrive $0xFFFF  }
0x84: {  	_ =	shalt  }

</sc_bundles>
